<compile_context>
chip_gen: v7x
topology: tpu7x:2x2x1
jax: 0.10.2.dev20260603
libtpu: 0.0.44.dev20260713+nightly
codegen_flags: <defaults>
</compile_context>

<pallas_src>
import jax
import jax.numpy as jnp
from jax import lax
from jax.experimental import pallas as pl
from jax.experimental.pallas import tpu as pltpu
from jax.experimental.pallas import tpu_sc as plsc

N, D, R = 200000, 100, 100000
DP = 128

NC, NS, L = 2, 16, 16
CR = 5000
NCHUNK = N // (NC * CR)
RPT = 312
TAIL = CR - NS * RPT
ZR = 104
RP = 100096
IPT = RP // NS
NV = IPT // L
B = 128
PADROWS = L
TRASH = IPT + 2 * B


def _sc_body(idx_hbm, recv_hbm, acc_hbm,
             idx_buf, loc_buf, pos_buf, loc2d, gbuf, gbuf2, gsem0, gsem1,
             wsem, zbuf, acc):
    c = lax.axis_index("c")
    s = lax.axis_index("s")
    half = N // NC

    pltpu.sync_copy(idx_hbm.at[pl.ds(s * IPT, IPT)], idx_buf)

    zrow = jnp.zeros((L,), jnp.float32)

    def zinit(r, _):
        def zcol(j, _):
            zbuf[r, pl.ds(j * L, L)] = zrow
            return 0
        lax.fori_loop(0, DP // L, zcol, 0)
        return 0
    lax.fori_loop(0, ZR, zinit, 0)

    iota = lax.iota(jnp.int32, L)
    dummy_loc = CR + (s % PADROWS)
    dummy_pos = (s * NC + c) * 97

    def chunk_body(kk, _):
        base = c * half + kk * CR

        def scan_body(vi, cnt):
            iv = idx_buf[pl.ds(vi * L, L)]
            rel = iv - base
            t = rel | (CR - 1 - rel)
            inb = 1 - lax.shift_right_logical(t, 31)
            offs_in = plsc.cumsum(inb) - inb + cnt
            offs = offs_in * inb + TRASH * (1 - inb)
            plsc.store_scatter(loc_buf, [offs], rel)
            pos = s * IPT + vi * L + iota
            plsc.store_scatter(pos_buf, [offs], pos)
            return cnt + jnp.sum(inb)

        cnt = lax.fori_loop(0, NV, scan_body, 0)

        def pad_body(j, _):
            off = cnt + j * L
            loc_buf[pl.ds(off, L)] = jnp.full((L,), dummy_loc, jnp.int32)
            pos_buf[pl.ds(off, L)] = jnp.full((L,), dummy_pos, jnp.int32)
            return 0
        lax.fori_loop(0, B // L, pad_body, 0)

        nb = (cnt + B - 1) // B

        @pl.when(kk > 0)
        def _():
            pbase = base - CR
            pltpu.make_async_copy(
                acc.at[pl.ds(s * RPT, RPT)],
                acc_hbm.at[pl.ds(pbase + s * RPT, RPT)], wsem).wait()

            @pl.when(s == NS - 1)
            def _():
                pltpu.make_async_copy(
                    acc.at[pl.ds(NS * RPT, TAIL)],
                    acc_hbm.at[pl.ds(pbase + NS * RPT, TAIL)], wsem).wait()

        def zslice(t, _):
            pltpu.sync_copy(zbuf, acc.at[pl.ds(s * RPT + t * ZR, ZR)])
            return 0
        lax.fori_loop(0, RPT // ZR, zslice, 0)

        @pl.when(s == NS - 1)
        def _():
            pltpu.sync_copy(zbuf.at[pl.ds(0, TAIL)],
                            acc.at[pl.ds(NS * RPT, TAIL)])
        plsc.subcore_barrier()

        def round_for(gref, gsem, oref, osem, bi):
            pltpu.make_async_copy(
                recv_hbm.at[pos_buf.at[pl.ds(bi * B, B)]], gref, gsem).wait()

            @pl.when(bi + 1 < nb)
            def _():
                pltpu.async_copy(
                    recv_hbm.at[pos_buf.at[pl.ds((bi + 1) * B, B)]],
                    oref, osem)

            def mv(j, _):
                loc2d[0, pl.ds(j * L, L)] = loc_buf[pl.ds(bi * B + j * L, L)]
                return 0
            lax.fori_loop(0, B // L, mv, 0)
            pltpu.sync_copy(gref, acc.at[loc2d.at[0]], add=True)

        @pl.when(nb > 0)
        def _():
            pltpu.async_copy(
                recv_hbm.at[pos_buf.at[pl.ds(0, B)]], gbuf, gsem0)

        def batch_body(bi, _):
            @pl.when(lax.rem(bi, 2) == 0)
            def _():
                round_for(gbuf, gsem0, gbuf2, gsem1, bi)

            @pl.when(lax.rem(bi, 2) == 1)
            def _():
                round_for(gbuf2, gsem1, gbuf, gsem0, bi)
            return 0
        lax.fori_loop(0, nb, batch_body, 0)
        plsc.subcore_barrier()

        pltpu.async_copy(acc.at[pl.ds(s * RPT, RPT)],
                         acc_hbm.at[pl.ds(base + s * RPT, RPT)], wsem)

        @pl.when(s == NS - 1)
        def _():
            pltpu.async_copy(acc.at[pl.ds(NS * RPT, TAIL)],
                             acc_hbm.at[pl.ds(base + NS * RPT, TAIL)], wsem)
        return 0

    lax.fori_loop(0, NCHUNK, chunk_body, 0)

    lbase = c * half + (NCHUNK - 1) * CR
    pltpu.make_async_copy(
        acc.at[pl.ds(s * RPT, RPT)],
        acc_hbm.at[pl.ds(lbase + s * RPT, RPT)], wsem).wait()

    @pl.when(s == NS - 1)
    def _():
        pltpu.make_async_copy(
            acc.at[pl.ds(NS * RPT, TAIL)],
            acc_hbm.at[pl.ds(lbase + NS * RPT, TAIL)], wsem).wait()


def _sc_scatter(idx_pad, recv_pad):
    mesh = plsc.VectorSubcoreMesh(core_axis_name="c", subcore_axis_name="s")
    fn = pl.kernel(
        _sc_body,
        out_type=jax.ShapeDtypeStruct((N, DP), jnp.float32),
        mesh=mesh,
        compiler_params=pltpu.CompilerParams(needs_layout_passes=False),
        scratch_types=[
            pltpu.VMEM((IPT,), jnp.int32),
            pltpu.VMEM((TRASH + L,), jnp.int32),
            pltpu.VMEM((TRASH + L,), jnp.int32),
            pltpu.VMEM((1, B), jnp.int32),
            pltpu.VMEM((B, DP), jnp.float32),
            pltpu.VMEM((B, DP), jnp.float32),
            pltpu.SemaphoreType.DMA,
            pltpu.SemaphoreType.DMA,
            pltpu.SemaphoreType.DMA,
            pltpu.VMEM((ZR, DP), jnp.float32),
            pltpu.VMEM_SHARED((CR + PADROWS, DP), jnp.float32),
        ],
    )
    return fn(idx_pad, recv_pad)


BM = 2048


def _matmul_body(xt_ref, w_ref, b_ref, acc_ref, o_ref):
    mm = lax.dot_general(w_ref[...], xt_ref[...], (((1,), (0,)), ((), ())),
                         preferred_element_type=jnp.float32)
    acct = jnp.transpose(acc_ref[...][:, :D])
    o_ref[...] = mm + b_ref[...][:, None] + acct


def _matmul_add(xt, w, b, acc):
    return pl.pallas_call(
        _matmul_body,
        grid=((N + BM - 1) // BM,),
        in_specs=[
            pl.BlockSpec((D, BM), lambda i: (0, i)),
            pl.BlockSpec((D, D), lambda i: (0, 0)),
            pl.BlockSpec((D,), lambda i: (0,)),
            pl.BlockSpec((BM, DP), lambda i: (i, 0)),
        ],
        out_specs=pl.BlockSpec((D, BM), lambda i: (0, i)),
        out_shape=jax.ShapeDtypeStruct((D, N), jnp.float32),
    )(xt, w, b, acc)


BR = 2048


def _pad_body(rt_ref, o_ref):
    rows = jnp.transpose(rt_ref[...])
    o_ref[...] = jnp.concatenate(
        [rows, jnp.zeros((BR, DP - D), jnp.float32)], axis=1)


def _pad_recv(recvt):
    return pl.pallas_call(
        _pad_body,
        grid=((R + BR - 1) // BR,),
        in_specs=[pl.BlockSpec((D, BR), lambda i: (0, i))],
        out_specs=pl.BlockSpec((BR, DP), lambda i: (i, 0)),
        out_shape=jax.ShapeDtypeStruct((R, DP), jnp.float32),
    )(recvt)


@jax.jit
def _run(x, w, b, from_idx, recv):
    idx = from_idx.astype(jnp.int32)
    idx_pad = jnp.concatenate(
        [idx, jnp.full((RP - R,), N, jnp.int32)])
    recv_pad = _pad_recv(recv.T)
    acc = _sc_scatter(idx_pad, recv_pad)
    outt = _matmul_add(x.T, w, b, acc)
    return outt.T


def kernel(input, W, b, from_idx, to_idx, recv):
    return _run(input, W, b, from_idx, recv)

# --- scband reference (transcript-rebuilt; emitter-appended) ---
"""Pipeline reference for scband-toy-single-816043786390 (READ-ONLY COPY).

The authoritative reference and input builder live on the scoring server;
editing this copy changes nothing except your own understanding.
"""

import jax, jax.numpy as jnp
import numpy as np

N, D, R = 200000, 100, 100000

def setup_inputs(seed: int = 0) -> dict:
    key = jax.random.key(seed)
    k1, k2, k3, k4, k5, k6 = jax.random.split(key, 6)
    x = jax.random.normal(k1, (N, D), dtype=jnp.float32)
    # Linear(100, 100) parameters
    W = jax.random.normal(k2, (D, D), dtype=jnp.float32) * (1.0 / np.sqrt(D))
    b = jax.random.normal(k3, (D,), dtype=jnp.float32) * 0.01
    # from_idx: local rows that receive remote contributions (from_dict flattened over 3 peers)
    from_idx = jax.random.randint(k4, (R,), 0, N, dtype=jnp.int64)
    # to_idx: local rows sent to peers (no effect on local forward output; kept for signature fidelity)
    to_idx = jax.random.randint(k5, (R,), 0, N, dtype=jnp.int64)
    # recv: features received from the 3 peer ranks (stand-in for torch.distributed.recv buffers)
    recv = jax.random.normal(k6, (R, D), dtype=jnp.float32)
    return {"input": x, "W": W, "b": b, "from_idx": from_idx, "to_idx": to_idx, "recv": recv}

def reference(input, W, b, from_idx, to_idx, recv):
    # ToySingle.forward: a = self.ll(input)
    a = input @ W.T + b
    # Shuffle.forward (single-device emulation of the 4-rank exchange):
    # peers' sends land in temp buffers (recv), then input_t[from_dict[i]] += temp[i]
    out = a.at[from_idx].add(recv)
    # sends of a[to_idx] to peers do not modify the local output
    return out

if __name__ == "__main__":
    import jax
    _d = setup_inputs()
    print(jax.jit(kernel)(*tuple(_d.values())))

</pallas_src>

<mosaic_0001>
#map = affine_map<(d0, d1) -> (0)>
#map1 = affine_map<(d0, d1) -> (0, 0)>
module attributes {stable_mosaic.version = 14 : i64} {
  func.func @_sc_body(%arg0: i32, %arg1: i32, %arg2: memref<100096xi32, #tpu.memory_space<hbm>>, %arg3: memref<100000x128xf32, #tpu.memory_space<hbm>>, %arg4: memref<200000x128xf32, #tpu.memory_space<hbm>>, %arg5: memref<6256xi32, #tpu.memory_space<vmem>>, %arg6: memref<6528xi32, #tpu.memory_space<vmem>>, %arg7: memref<6528xi32, #tpu.memory_space<vmem>>, %arg8: memref<1x128xi32, #tpu.memory_space<vmem>>, %arg9: memref<128x128xf32, #tpu.memory_space<vmem>>, %arg10: memref<128x128xf32, #tpu.memory_space<vmem>>, %arg11: memref<!tpu.dma_semaphore, #tpu.memory_space<semaphore_mem>>, %arg12: memref<!tpu.dma_semaphore, #tpu.memory_space<semaphore_mem>>, %arg13: memref<!tpu.dma_semaphore, #tpu.memory_space<semaphore_mem>>, %arg14: memref<104x128xf32, #tpu.memory_space<vmem>>, %arg15: memref<5016x128xf32, #tpu.memory_space<vmem_shared>>) attributes {dimension_semantics = [#tpu.dimension_semantics<core_parallel>, #tpu.dimension_semantics<subcore_parallel>], iteration_bounds = array<i64: 2, 16>, scalar_prefetch = 0 : i64, scratch_operands = 11 : i64, tpu.core_type = #tpu.core_type<sc_vector_subcore>, window_params = [{transform_indices = #map}, {transform_indices = #map1}, {transform_indices = #map1}]} {
    %mul3A = arith.constant 6256 : i32
    %mul3A_0 = arith.muli %arg1, %mul3A : i32
    "tpu.region"() ({
      %run_scoped3A = tpu.sem_alloc : memref<!tpu.dma_semaphore, #tpu.memory_space<semaphore_mem>>
      %dma_start3A = tpu.memref_slice %arg2[%mul3A_0] : memref<100096xi32, #tpu.memory_space<hbm>> -> memref<6256xi32, #tpu.memory_space<hbm>>
      %dma_start3A_45 = tpu.memref_slice %arg2[%mul3A_0] : memref<100096xi32, #tpu.memory_space<hbm>> -> memref<6256xi32, #tpu.memory_space<hbm>>
      tpu.enqueue_dma source(%dma_start3A_45 : memref<6256xi32, #tpu.memory_space<hbm>>) target(%arg5 : memref<6256xi32, #tpu.memory_space<vmem>>) target_semaphore(%run_scoped3A : memref<!tpu.dma_semaphore, #tpu.memory_space<semaphore_mem>>)
      %dma_wait3A_46 = tpu.memref_slice %arg2[%mul3A_0] : memref<100096xi32, #tpu.memory_space<hbm>> -> memref<6256xi32, #tpu.memory_space<hbm>>
      %dma_wait3A_47 = tpu.memref_slice %arg2[%mul3A_0] : memref<100096xi32, #tpu.memory_space<hbm>> -> memref<6256xi32, #tpu.memory_space<hbm>>
      tpu.wait_dma2 semaphore(%run_scoped3A : memref<!tpu.dma_semaphore, #tpu.memory_space<semaphore_mem>>) src(%dma_wait3A_47 : memref<6256xi32, #tpu.memory_space<hbm>>) dst(%arg5 : memref<6256xi32, #tpu.memory_space<vmem>>)
      tpu.yield
    }) : () -> ()
    %broadcast_in_dim3A = arith.constant 0.000000e+00 : f32
    %broadcast_in_dim3A_1 = vector.broadcast %broadcast_in_dim3A : f32 to vector<16xf32>
    %scan3A = arith.constant 0 : i32
    %scan3A_2 = arith.constant 0 : i32
    %scan3A_3 = arith.constant 104 : i32
    %scan3A_4 = arith.addi %scan3A_2, %scan3A_3 : i32
    %scan3A_5 = arith.constant 1 : i32
    %scan3A_6 = scf.for %scan3A_45 = %scan3A_2 to %scan3A_4 step %scan3A_5 iter_args(%scan3A_46 = %scan3A) -> (i32)  : i32 {
      %scan3A_47 = arith.constant 0 : i32
      %scan3A_48 = arith.constant 0 : i32
      %scan3A_49 = arith.constant 8 : i32
      %scan3A_50 = arith.addi %scan3A_48, %scan3A_49 : i32
      %scan3A_51 = arith.constant 1 : i32
      %scan3A_52 = scf.for %scan3A_55 = %scan3A_48 to %scan3A_50 step %scan3A_51 iter_args(%scan3A_56 = %scan3A_47) -> (i32)  : i32 {
        %mul3A_57 = arith.constant 16 : i32
        %mul3A_58 = arith.muli %scan3A_55, %mul3A_57 : i32
        %swap3A = arith.index_cast %scan3A_45 : i32 to index
        %swap3A_59 = arith.index_cast %mul3A_58 : i32 to index
        %swap3A_60 = tpu.vector_load %arg14[%swap3A, %swap3A_59] {strides = array<i32>} : memref<104x128xf32, #tpu.memory_space<vmem>>, vector<16xf32>,
        tpu.vector_store %arg14[%swap3A, %swap3A_59], %broadcast_in_dim3A_1 {strides = array<i32>} : memref<104x128xf32, #tpu.memory_space<vmem>>, vector<16xf32>,
        %scan3A_61 = arith.constant 0 : i32
        scf.yield %scan3A_61 : i32
      }
      %scan3A_53 = arith.constant 8 : i32
      %scan3A_54 = arith.constant 0 : i32
      scf.yield %scan3A_54 : i32
    }
    %scan3A_7 = arith.constant 104 : i32
    %iota3A = tpu.iota {dimensions = array<i32: 0>} : vector<16xi32>
    %jit3A = arith.constant 16 : i32
    %eq3A = arith.constant 0 : i32
    %eq3A_8 = arith.cmpi eq, %jit3A, %eq3A : i32
    %jit3A_9 = arith.constant 1 : i32
    %select_n3A = arith.select %eq3A_8, %jit3A_9, %jit3A : i32
    %rem3A = arith.remsi %arg1, %select_n3A : i32
    %ne3A = arith.constant 0 : i32
    %ne3A_10 = arith.cmpi ne, %rem3A, %ne3A : i32
    %lt3A = arith.constant 0 : i32
    %lt3A_11 = arith.cmpi slt, %rem3A, %lt3A : i32
    %lt3A_12 = arith.constant 0 : i32
    %lt3A_13 = arith.cmpi slt, %select_n3A, %lt3A_12 : i32
    %ne3A_14 = arith.xori %lt3A_11, %lt3A_13 : i1
    %and3A = arith.andi %ne3A_14, %ne3A_10 : i1
    %add3A = arith.addi %rem3A, %select_n3A : i32
    %select_n3A_15 = arith.select %and3A, %add3A, %rem3A : i32
    %add3A_16 = arith.constant 5000 : i32
    %add3A_17 = arith.addi %add3A_16, %select_n3A_15 : i32
    %mul3A_18 = arith.constant 2 : i32
    %mul3A_19 = arith.muli %arg1, %mul3A_18 : i32
    %add3A_20 = arith.addi %mul3A_19, %arg0 : i32
    %mul3A_21 = arith.constant 97 : i32
    %mul3A_22 = arith.muli %add3A_20, %mul3A_21 : i32
    %scan3A_23 = arith.constant 0 : i32
    %scan3A_24 = arith.constant 0 : i32
    %scan3A_25 = arith.constant 20 : i32
    %scan3A_26 = arith.addi %scan3A_24, %scan3A_25 : i32
    %scan3A_27 = arith.constant 1 : i32
    %scan3A_28 = scf.for %scan3A_45 = %scan3A_24 to %scan3A_26 step %scan3A_27 iter_args(%scan3A_46 = %scan3A_23) -> (i32)  : i32 {
      %mul3A_47 = arith.constant 100000 : i32
      %mul3A_48 = arith.muli %arg0, %mul3A_47 : i32
      %mul3A_49 = arith.constant 5000 : i32
      %mul3A_50 = arith.muli %scan3A_45, %mul3A_49 : i32
      %add3A_51 = arith.addi %mul3A_48, %mul3A_50 : i32
      %scan3A_52 = arith.constant 0 : i32
      %scan3A_53 = arith.constant 0 : i32
      %scan3A_54 = arith.constant 391 : i32
      %scan3A_55 = arith.addi %scan3A_53, %scan3A_54 : i32
      %scan3A_56 = arith.constant 1 : i32
      %scan3A_57 = scf.for %scan3A_138 = %scan3A_53 to %scan3A_55 step %scan3A_56 iter_args(%scan3A_139 = %scan3A_52) -> (i32)  : i32 {
        %mul3A_140 = arith.constant 16 : i32
        %mul3A_141 = arith.muli %scan3A_138, %mul3A_140 : i32
        %get3A = arith.index_cast %mul3A_141 : i32 to index
        %get3A_142 = tpu.vector_load %arg5[%get3A] {strides = array<i32>} : memref<6256xi32, #tpu.memory_space<vmem>>, vector<16xi32>,
        %sub3A_143 = vector.broadcast %add3A_51 : i32 to vector<16xi32>
        %sub3A_144 = arith.subi %get3A_142, %sub3A_143 : vector<16xi32>
        %sub3A_145 = arith.constant 4999 : i32
        %sub3A_146 = vector.broadcast %sub3A_145 : i32 to vector<16xi32>
        %sub3A_147 = arith.subi %sub3A_146, %sub3A_144 : vector<16xi32>
        %or3A = arith.ori %sub3A_144, %sub3A_147 : vector<16xi32>
        %shift_right_logical3A = arith.constant 31 : i32
        %shift_right_logical3A_148 = vector.broadcast %shift_right_logical3A : i32 to vector<16xi32>
        %shift_right_logical3A_149 = arith.shrui %or3A, %shift_right_logical3A_148 : vector<16xi32>
        %sub3A_150 = arith.constant 1 : i32
        %sub3A_151 = vector.broadcast %sub3A_150 : i32 to vector<16xi32>
        %sub3A_152 = arith.subi %sub3A_151, %shift_right_logical3A_149 : vector<16xi32>
        %broadcast_in_dim3A_153 = arith.constant true
        %broadcast_in_dim3A_154 = vector.broadcast %broadcast_in_dim3A_153 : i1 to vector<16xi1>
        %masked_cumsum3A = tpu.scan <sum>, %sub3A_152 masked %broadcast_in_dim3A_154 : vector<16xi32>, vector<16xi1> -> vector<16xi32>
        %sub3A_155 = arith.subi %masked_cumsum3A, %sub3A_152 : vector<16xi32>
        %add3A_156 = vector.broadcast %scan3A_139 : i32 to vector<16xi32>
        %add3A_157 = arith.addi %sub3A_155, %add3A_156 : vector<16xi32>
        %mul3A_158 = arith.muli %add3A_157, %sub3A_152 : vector<16xi32>
        %sub3A_159 = arith.constant 1 : i32
        %sub3A_160 = vector.broadcast %sub3A_159 : i32 to vector<16xi32>
        %sub3A_161 = arith.subi %sub3A_160, %sub3A_152 : vector<16xi32>
        %mul3A_162 = arith.constant 6512 : i32
        %mul3A_163 = vector.broadcast %mul3A_162 : i32 to vector<16xi32>
        %mul3A_164 = arith.muli %mul3A_163, %sub3A_161 : vector<16xi32>
        %add3A_165 = arith.addi %mul3A_158, %mul3A_164 : vector<16xi32>
        tpu.vector_store_idx %arg6[%add3A_165], %sub3A_144 : memref<6528xi32, #tpu.memory_space<vmem>>[vector<16xi32>], vector<16xi32>,
        %mul3A_166 = arith.constant 6256 : i32
        %mul3A_167 = arith.muli %arg1, %mul3A_166 : i32
        %mul3A_168 = arith.constant 16 : i32
        %mul3A_169 = arith.muli %scan3A_138, %mul3A_168 : i32
        %add3A_170 = arith.addi %mul3A_167, %mul3A_169 : i32
        %add3A_171 = vector.broadcast %add3A_170 : i32 to vector<16xi32>
        %add3A_172 = arith.addi %add3A_171, %iota3A : vector<16xi32>
        tpu.vector_store_idx %arg7[%add3A_165], %add3A_172 : memref<6528xi32, #tpu.memory_space<vmem>>[vector<16xi32>], vector<16xi32>,
        %reduce_sum3A = arith.constant true
        %reduce_sum3A_173 = vector.broadcast %reduce_sum3A : i1 to vector<16xi1>
        %reduce_sum3A_174 = tpu.scan <sum>, %sub3A_152 masked %reduce_sum3A_173 : vector<16xi32>, vector<16xi1> -> vector<16xi32>
        %reduce_sum3A_175 = vector.extract %reduce_sum3A_174[15] : i32 from vector<16xi32>
        %add3A_176 = arith.addi %scan3A_139, %reduce_sum3A_175 : i32
        scf.yield %add3A_176 : i32
      }
      %scan3A_58 = arith.constant 391 : i32
      %scan3A_59 = arith.constant 0 : i32
      %scan3A_60 = arith.constant 0 : i32
      %scan3A_61 = arith.constant 8 : i32
      %scan3A_62 = arith.addi %scan3A_60, %scan3A_61 : i32
      %scan3A_63 = arith.constant 1 : i32
      %scan3A_64 = scf.for %scan3A_138 = %scan3A_60 to %scan3A_62 step %scan3A_63 iter_args(%scan3A_139 = %scan3A_59) -> (i32)  : i32 {
        %mul3A_140 = arith.constant 16 : i32
        %mul3A_141 = arith.muli %scan3A_138, %mul3A_140 : i32
        %add3A_142 = arith.addi %scan3A_57, %mul3A_141 : i32
        %broadcast_in_dim3A_143 = vector.broadcast %add3A_17 : i32 to vector<16xi32>
        %swap3A = arith.index_cast %add3A_142 : i32 to index
        %swap3A_144 = tpu.vector_load %arg6[%swap3A] {strides = array<i32>} : memref<6528xi32, #tpu.memory_space<vmem>>, vector<16xi32>,
        tpu.vector_store %arg6[%swap3A], %broadcast_in_dim3A_143 {strides = array<i32>} : memref<6528xi32, #tpu.memory_space<vmem>>, vector<16xi32>,
        %broadcast_in_dim3A_145 = vector.broadcast %mul3A_22 : i32 to vector<16xi32>
        %swap3A_146 = arith.index_cast %add3A_142 : i32 to index
        %swap3A_147 = tpu.vector_load %arg7[%swap3A_146] {strides = array<i32>} : memref<6528xi32, #tpu.memory_space<vmem>>, vector<16xi32>,
        tpu.vector_store %arg7[%swap3A_146], %broadcast_in_dim3A_145 {strides = array<i32>} : memref<6528xi32, #tpu.memory_space<vmem>>, vector<16xi32>,
        %scan3A_148 = arith.constant 0 : i32
        scf.yield %scan3A_148 : i32
      }
      %scan3A_65 = arith.constant 8 : i32
      %add3A_66 = arith.constant 128 : i32
      %add3A_67 = arith.addi %scan3A_57, %add3A_66 : i32
      %sub3A = arith.constant 1 : i32
      %sub3A_68 = arith.subi %add3A_67, %sub3A : i32
      %jit3A_69 = arith.constant 128 : i32
      %div3A = arith.divsi %sub3A_68, %jit3A_69 : i32
      %sign3A = arith.constant 0 : i32
      %sign3A_70 = arith.cmpi sgt, %sub3A_68, %sign3A : i32
      %sign3A_71 = arith.extui %sign3A_70 : i1 to i32
      %sign3A_72 = arith.constant 0 : i32
      %sign3A_73 = arith.cmpi slt, %sub3A_68, %sign3A_72 : i32
      %sign3A_74 = arith.extui %sign3A_73 : i1 to i32
      %sign3A_75 = arith.subi %sign3A_71, %sign3A_74 : i32
      %sign3A_76 = arith.constant 0 : i32
      %sign3A_77 = arith.cmpi sgt, %jit3A_69, %sign3A_76 : i32
      %sign3A_78 = arith.extui %sign3A_77 : i1 to i32
      %sign3A_79 = arith.constant 0 : i32
      %sign3A_80 = arith.cmpi slt, %jit3A_69, %sign3A_79 : i32
      %sign3A_81 = arith.extui %sign3A_80 : i1 to i32
      %sign3A_82 = arith.subi %sign3A_78, %sign3A_81 : i32
      %ne3A_83 = arith.cmpi ne, %sign3A_75, %sign3A_82 : i32
      %rem3A_84 = arith.remsi %sub3A_68, %jit3A_69 : i32
      %ne3A_85 = arith.constant 0 : i32
      %ne3A_86 = arith.cmpi ne, %rem3A_84, %ne3A_85 : i32
      %and3A_87 = arith.andi %ne3A_83, %ne3A_86 : i1
      %sub3A_88 = arith.constant 1 : i32
      %sub3A_89 = arith.subi %div3A, %sub3A_88 : i32
      %select_n3A_90 = arith.select %and3A_87, %sub3A_89, %div3A : i32
      %gt3A = arith.constant 0 : i32
      %gt3A_91 = arith.cmpi sgt, %scan3A_45, %gt3A : i32
      %convert_element_type3A_92 = arith.extui %gt3A_91 : i1 to i32
      %cond3A_93 = arith.constant 0 : i32
      %cond3A_94 = arith.cmpi ne, %convert_element_type3A_92, %cond3A_93 : i32
      scf.if %cond3A_94 {
        %sub3A_138 = arith.constant 5000 : i32
        %sub3A_139 = arith.subi %add3A_51, %sub3A_138 : i32
        %mul3A_140 = arith.constant 312 : i32
        %mul3A_141 = arith.muli %arg1, %mul3A_140 : i32
        %mul3A_142 = arith.constant 312 : i32
        %mul3A_143 = arith.muli %arg1, %mul3A_142 : i32
        %add3A_144 = arith.addi %sub3A_139, %mul3A_143 : i32
        %dma_wait3A_145 = arith.constant 0 : i32
        %dma_wait3A_146 = tpu.memref_slice %arg4[%add3A_144, %dma_wait3A_145] : memref<200000x128xf32, #tpu.memory_space<hbm>> -> memref<312x128xf32, #tpu.memory_space<hbm>>
        %dma_wait3A_147 = arith.constant 0 : i32
        %dma_wait3A_148 = tpu.memref_slice %arg15[%mul3A_141, %dma_wait3A_147] : memref<5016x128xf32, #tpu.memory_space<vmem_shared>> -> memref<312x128xf32, #tpu.memory_space<vmem_shared>>
        tpu.wait_dma2 semaphore(%arg13 : memref<!tpu.dma_semaphore, #tpu.memory_space<semaphore_mem>>) src(%dma_wait3A_148 : memref<312x128xf32, #tpu.memory_space<vmem_shared>>) dst(%dma_wait3A_146 : memref<312x128xf32, #tpu.memory_space<hbm>>)
        %eq3A_149 = arith.constant 15 : i32
        %eq3A_150 = arith.cmpi eq, %arg1, %eq3A_149 : i32
        %convert_element_type3A_151 = arith.extui %eq3A_150 : i1 to i32
        %cond3A_152 = arith.constant 0 : i32
        %cond3A_153 = arith.cmpi ne, %convert_element_type3A_151, %cond3A_152 : i32
        scf.if %cond3A_153 {
          %add3A_154 = arith.constant 4992 : i32
          %add3A_155 = arith.addi %sub3A_139, %add3A_154 : i32
          %dma_wait3A_156 = arith.constant 0 : i32
          %dma_wait3A_157 = tpu.memref_slice %arg4[%add3A_155, %dma_wait3A_156] : memref<200000x128xf32, #tpu.memory_space<hbm>> -> memref<8x128xf32, #tpu.memory_space<hbm>>
          %dma_wait3A_158 = arith.constant 4992 : i32
          %dma_wait3A_159 = arith.constant 0 : i32
          %dma_wait3A_160 = tpu.memref_slice %arg15[%dma_wait3A_158, %dma_wait3A_159] : memref<5016x128xf32, #tpu.memory_space<vmem_shared>> -> memref<8x128xf32, #tpu.memory_space<vmem_shared>>
          tpu.wait_dma2 semaphore(%arg13 : memref<!tpu.dma_semaphore, #tpu.memory_space<semaphore_mem>>) src(%dma_wait3A_160 : memref<8x128xf32, #tpu.memory_space<vmem_shared>>) dst(%dma_wait3A_157 : memref<8x128xf32, #tpu.memory_space<hbm>>)
        } else {
        }
      } else {
      }
      %scan3A_95 = arith.constant 0 : i32
      %scan3A_96 = arith.constant 0 : i32
      %scan3A_97 = arith.constant 3 : i32
      %scan3A_98 = arith.addi %scan3A_96, %scan3A_97 : i32
      %scan3A_99 = arith.constant 1 : i32
      %scan3A_100 = scf.for %scan3A_138 = %scan3A_96 to %scan3A_98 step %scan3A_99 iter_args(%scan3A_139 = %scan3A_95) -> (i32)  : i32 {
        %mul3A_140 = arith.constant 312 : i32
        %mul3A_141 = arith.muli %arg1, %mul3A_140 : i32
        %mul3A_142 = arith.constant 104 : i32
        %mul3A_143 = arith.muli %scan3A_138, %mul3A_142 : i32
        %add3A_144 = arith.addi %mul3A_141, %mul3A_143 : i32
        "tpu.region"() ({
          %run_scoped3A = tpu.sem_alloc : memref<!tpu.dma_semaphore, #tpu.memory_space<semaphore_mem>>
          %dma_start3A_146 = arith.constant 0 : i32
          %dma_start3A_147 = tpu.memref_slice %arg15[%add3A_144, %dma_start3A_146] : memref<5016x128xf32, #tpu.memory_space<vmem_shared>> -> memref<104x128xf32, #tpu.memory_space<vmem_shared>>
          %dma_start3A_148 = arith.constant 0 : i32
          %dma_start3A_149 = tpu.memref_slice %arg15[%add3A_144, %dma_start3A_148] : memref<5016x128xf32, #tpu.memory_space<vmem_shared>> -> memref<104x128xf32, #tpu.memory_space<vmem_shared>>
          tpu.enqueue_dma source(%arg14 : memref<104x128xf32, #tpu.memory_space<vmem>>) target(%dma_start3A_149 : memref<104x128xf32, #tpu.memory_space<vmem_shared>>) target_semaphore(%run_scoped3A : memref<!tpu.dma_semaphore, #tpu.memory_space<semaphore_mem>>)
          %dma_wait3A_150 = arith.constant 0 : i32
          %dma_wait3A_151 = tpu.memref_slice %arg15[%add3A_144, %dma_wait3A_150] : memref<5016x128xf32, #tpu.memory_space<vmem_shared>> -> memref<104x128xf32, #tpu.memory_space<vmem_shared>>
          %dma_wait3A_152 = arith.constant 0 : i32
          %dma_wait3A_153 = tpu.memref_slice %arg15[%add3A_144, %dma_wait3A_152] : memref<5016x128xf32, #tpu.memory_space<vmem_shared>> -> memref<104x128xf32, #tpu.memory_space<vmem_shared>>
          tpu.wait_dma2 semaphore(%run_scoped3A : memref<!tpu.dma_semaphore, #tpu.memory_space<semaphore_mem>>) src(%arg14 : memref<104x128xf32, #tpu.memory_space<vmem>>) dst(%dma_wait3A_153 : memref<104x128xf32, #tpu.memory_space<vmem_shared>>)
          tpu.yield
        }) : () -> ()
        %scan3A_145 = arith.constant 0 : i32
        scf.yield %scan3A_145 : i32
      }
      %scan3A_101 = arith.constant 3 : i32
      %eq3A_102 = arith.constant 15 : i32
      %eq3A_103 = arith.cmpi eq, %arg1, %eq3A_102 : i32
      %convert_element_type3A_104 = arith.extui %eq3A_103 : i1 to i32
      %cond3A_105 = arith.constant 0 : i32
      %cond3A_106 = arith.cmpi ne, %convert_element_type3A_104, %cond3A_105 : i32
      scf.if %cond3A_106 {
        "tpu.region"() ({
          %run_scoped3A = tpu.sem_alloc : memref<!tpu.dma_semaphore, #tpu.memory_space<semaphore_mem>>
          %dma_start3A_138 = arith.constant 0 : i32
          %dma_start3A_139 = arith.constant 0 : i32
          %dma_start3A_140 = tpu.memref_slice %arg14[%dma_start3A_138, %dma_start3A_139] : memref<104x128xf32, #tpu.memory_space<vmem>> -> memref<8x128xf32, #tpu.memory_space<vmem>>
          %dma_start3A_141 = arith.constant 4992 : i32
          %dma_start3A_142 = arith.constant 0 : i32
          %dma_start3A_143 = tpu.memref_slice %arg15[%dma_start3A_141, %dma_start3A_142] : memref<5016x128xf32, #tpu.memory_space<vmem_shared>> -> memref<8x128xf32, #tpu.memory_space<vmem_shared>>
          %dma_start3A_144 = arith.constant 4992 : i32
          %dma_start3A_145 = arith.constant 0 : i32
          %dma_start3A_146 = tpu.memref_slice %arg15[%dma_start3A_144, %dma_start3A_145] : memref<5016x128xf32, #tpu.memory_space<vmem_shared>> -> memref<8x128xf32, #tpu.memory_space<vmem_shared>>
          %dma_start3A_147 = arith.constant 0 : i32
          %dma_start3A_148 = arith.constant 0 : i32
          %dma_start3A_149 = tpu.memref_slice %arg14[%dma_start3A_147, %dma_start3A_148] : memref<104x128xf32, #tpu.memory_space<vmem>> -> memref<8x128xf32, #tpu.memory_space<vmem>>
          tpu.enqueue_dma source(%dma_start3A_149 : memref<8x128xf32, #tpu.memory_space<vmem>>) target(%dma_start3A_146 : memref<8x128xf32, #tpu.memory_space<vmem_shared>>) target_semaphore(%run_scoped3A : memref<!tpu.dma_semaphore, #tpu.memory_space<semaphore_mem>>)
          %dma_wait3A_150 = arith.constant 0 : i32
          %dma_wait3A_151 = arith.constant 0 : i32
          %dma_wait3A_152 = tpu.memref_slice %arg14[%dma_wait3A_150, %dma_wait3A_151] : memref<104x128xf32, #tpu.memory_space<vmem>> -> memref<8x128xf32, #tpu.memory_space<vmem>>
          %dma_wait3A_153 = arith.constant 4992 : i32
          %dma_wait3A_154 = arith.constant 0 : i32
          %dma_wait3A_155 = tpu.memref_slice %arg15[%dma_wait3A_153, %dma_wait3A_154] : memref<5016x128xf32, #tpu.memory_space<vmem_shared>> -> memref<8x128xf32, #tpu.memory_space<vmem_shared>>
          %dma_wait3A_156 = arith.constant 4992 : i32
          %dma_wait3A_157 = arith.constant 0 : i32
          %dma_wait3A_158 = tpu.memref_slice %arg15[%dma_wait3A_156, %dma_wait3A_157] : memref<5016x128xf32, #tpu.memory_space<vmem_shared>> -> memref<8x128xf32, #tpu.memory_space<vmem_shared>>
          %dma_wait3A_159 = arith.constant 0 : i32
          %dma_wait3A_160 = arith.constant 0 : i32
          %dma_wait3A_161 = tpu.memref_slice %arg14[%dma_wait3A_159, %dma_wait3A_160] : memref<104x128xf32, #tpu.memory_space<vmem>> -> memref<8x128xf32, #tpu.memory_space<vmem>>
          tpu.wait_dma2 semaphore(%run_scoped3A : memref<!tpu.dma_semaphore, #tpu.memory_space<semaphore_mem>>) src(%dma_wait3A_161 : memref<8x128xf32, #tpu.memory_space<vmem>>) dst(%dma_wait3A_158 : memref<8x128xf32, #tpu.memory_space<vmem_shared>>)
          tpu.yield
        }) : () -> ()
      } else {
      }
      %barrier3A = arith.constant 0 : index
      tpu.barrier barrier_id(%barrier3A)
      %gt3A_107 = arith.constant 0 : i32
      %gt3A_108 = arith.cmpi sgt, %select_n3A_90, %gt3A_107 : i32
      %convert_element_type3A_109 = arith.extui %gt3A_108 : i1 to i32
      %cond3A_110 = arith.constant 0 : i32
      %cond3A_111 = arith.cmpi ne, %convert_element_type3A_109, %cond3A_110 : i32
      scf.if %cond3A_111 {
        %dma_start3A_138 = arith.constant 0 : i32
        %dma_start3A_139 = tpu.memref_slice %arg7[%dma_start3A_138] : memref<6528xi32, #tpu.memory_space<vmem>> -> memref<128xi32, #tpu.memory_space<vmem>>
        %dma_start3A_140 = arith.constant 0 : i32
        %dma_start3A_141 = arith.constant 0 : i32
        %dma_start3A_142 = tpu.memref_slice %arg3[%dma_start3A_140, %dma_start3A_141] : memref<100000x128xf32, #tpu.memory_space<hbm>> -> memref<100000x128xf32, #tpu.memory_space<hbm>>
        tpu.enqueue_indirect_dma source(%dma_start3A_142 : memref<100000x128xf32, #tpu.memory_space<hbm>>) target(%arg9 : memref<128x128xf32, #tpu.memory_space<vmem>>) offsets(%dma_start3A_139 : memref<128xi32, #tpu.memory_space<vmem>>) semaphore(%arg11 : memref<!tpu.dma_semaphore, #tpu.memory_space<semaphore_mem>>)
      } else {
      }
      %while3A = arith.constant 0 : i32
      %while3A_112 = arith.constant 0 : i32
      %while3A_113 = arith.subi %select_n3A_90, %while3A : i32
      %while3A_114 = arith.addi %while3A, %while3A_113 : i32
      %while3A_115 = arith.constant 1 : i32
      %while3A_116 = arith.divsi %while3A_113, %while3A_115 : i32
      %while3A_117 = arith.muli %while3A_116, %while3A_115 : i32
      %while3A_118 = arith.addi %while3A, %while3A_117 : i32
      %while3A_119 = arith.constant 1 : i32
      %while3A_120 = scf.for %while3A_138 = %while3A to %while3A_118 step %while3A_119 iter_args(%while3A_139 = %while3A_112) -> (i32)  : i32 {
        %rem3A_140 = arith.constant 2 : i32
        %rem3A_141 = arith.remsi %while3A_138, %rem3A_140 : i32
        %eq3A_142 = arith.constant 0 : i32
        %eq3A_143 = arith.cmpi eq, %rem3A_141, %eq3A_142 : i32
        %convert_element_type3A_144 = arith.extui %eq3A_143 : i1 to i32
        %cond3A_145 = arith.constant 0 : i32
        %cond3A_146 = arith.cmpi ne, %convert_element_type3A_144, %cond3A_145 : i32
        scf.if %cond3A_146 {
          %mul3A_155 = arith.constant 128 : i32
          %mul3A_156 = arith.muli %while3A_138, %mul3A_155 : i32
          %dma_wait3A_157 = tpu.memref_slice %arg7[%mul3A_156] : memref<6528xi32, #tpu.memory_space<vmem>> -> memref<128xi32, #tpu.memory_space<vmem>>
          %dma_wait3A_158 = arith.constant 0 : i32
          %dma_wait3A_159 = arith.constant 0 : i32
          %dma_wait3A_160 = tpu.memref_slice %arg3[%dma_wait3A_158, %dma_wait3A_159] : memref<100000x128xf32, #tpu.memory_space<hbm>> -> memref<100000x128xf32, #tpu.memory_space<hbm>>
          tpu.wait_indirect_dma semaphore(%arg11 : memref<!tpu.dma_semaphore, #tpu.memory_space<semaphore_mem>>) src(%dma_wait3A_160 : memref<100000x128xf32, #tpu.memory_space<hbm>>) dst(%arg9 : memref<128x128xf32, #tpu.memory_space<vmem>>)
          %add3A_161 = arith.constant 1 : i32
          %add3A_162 = arith.addi %while3A_138, %add3A_161 : i32
          %lt3A_163 = arith.cmpi slt, %add3A_162, %select_n3A_90 : i32
          %convert_element_type3A_164 = arith.extui %lt3A_163 : i1 to i32
          %cond3A_165 = arith.constant 0 : i32
          %cond3A_166 = arith.cmpi ne, %convert_element_type3A_164, %cond3A_165 : i32
          scf.if %cond3A_166 {
            %add3A_174 = arith.constant 1 : i32
            %add3A_175 = arith.addi %while3A_138, %add3A_174 : i32
            %mul3A_176 = arith.constant 128 : i32
            %mul3A_177 = arith.muli %add3A_175, %mul3A_176 : i32
            %dma_start3A_178 = tpu.memref_slice %arg7[%mul3A_177] : memref<6528xi32, #tpu.memory_space<vmem>> -> memref<128xi32, #tpu.memory_space<vmem>>
            %dma_start3A_179 = arith.constant 0 : i32
            %dma_start3A_180 = arith.constant 0 : i32
            %dma_start3A_181 = tpu.memref_slice %arg3[%dma_start3A_179, %dma_start3A_180] : memref<100000x128xf32, #tpu.memory_space<hbm>> -> memref<100000x128xf32, #tpu.memory_space<hbm>>
            tpu.enqueue_indirect_dma source(%dma_start3A_181 : memref<100000x128xf32, #tpu.memory_space<hbm>>) target(%arg10 : memref<128x128xf32, #tpu.memory_space<vmem>>) offsets(%dma_start3A_178 : memref<128xi32, #tpu.memory_space<vmem>>) semaphore(%arg12 : memref<!tpu.dma_semaphore, #tpu.memory_space<semaphore_mem>>)
          } else {
          }
          %scan3A_167 = arith.constant 0 : i32
          %scan3A_168 = arith.constant 0 : i32
          %scan3A_169 = arith.constant 8 : i32
          %scan3A_170 = arith.addi %scan3A_168, %scan3A_169 : i32
          %scan3A_171 = arith.constant 1 : i32
          %scan3A_172 = scf.for %scan3A_174 = %scan3A_168 to %scan3A_170 step %scan3A_171 iter_args(%scan3A_175 = %scan3A_167) -> (i32)  : i32 {
            %mul3A_176 = arith.constant 128 : i32
            %mul3A_177 = arith.muli %while3A_138, %mul3A_176 : i32
            %mul3A_178 = arith.constant 16 : i32
            %mul3A_179 = arith.muli %scan3A_174, %mul3A_178 : i32
            %add3A_180 = arith.addi %mul3A_177, %mul3A_179 : i32
            %get3A = arith.index_cast %add3A_180 : i32 to index
            %get3A_181 = tpu.vector_load %arg6[%get3A] {strides = array<i32>} : memref<6528xi32, #tpu.memory_space<vmem>>, vector<16xi32>,
            %mul3A_182 = arith.constant 16 : i32
            %mul3A_183 = arith.muli %scan3A_174, %mul3A_182 : i32
            %swap3A = arith.constant 0 : i32
            %swap3A_184 = arith.index_cast %swap3A : i32 to index
            %swap3A_185 = arith.index_cast %mul3A_183 : i32 to index
            %swap3A_186 = tpu.vector_load %arg8[%swap3A_184, %swap3A_185] {strides = array<i32>} : memref<1x128xi32, #tpu.memory_space<vmem>>, vector<16xi32>,
            tpu.vector_store %arg8[%swap3A_184, %swap3A_185], %get3A_181 {strides = array<i32>} : memref<1x128xi32, #tpu.memory_space<vmem>>, vector<16xi32>,
            %scan3A_187 = arith.constant 0 : i32
            scf.yield %scan3A_187 : i32
          }
          %scan3A_173 = arith.constant 8 : i32
          %run_scoped3A = arith.constant 0 : i32
          "tpu.region"() ({
            %run_scoped3A_174 = tpu.sem_alloc : memref<!tpu.dma_semaphore, #tpu.memory_space<semaphore_mem>>
            %dma_start3A_175 = arith.constant 0 : i32
            %dma_start3A_176 = tpu.memref_slice %arg8[%run_scoped3A, %dma_start3A_175] : memref<1x128xi32, #tpu.memory_space<vmem>> -> memref<1x128xi32, #tpu.memory_space<vmem>>
            %dma_start3A_177 = tpu.memref_squeeze %dma_start3A_176 : memref<1x128xi32, #tpu.memory_space<vmem>> -> memref<128xi32, #tpu.memory_space<vmem>>
            %dma_start3A_178 = arith.constant 0 : i32
            %dma_start3A_179 = arith.constant 0 : i32
            %dma_start3A_180 = tpu.memref_slice %arg15[%dma_start3A_178, %dma_start3A_179] : memref<5016x128xf32, #tpu.memory_space<vmem_shared>> -> memref<5016x128xf32, #tpu.memory_space<vmem_shared>>
            tpu.enqueue_indirect_dma source(%arg9 : memref<128x128xf32, #tpu.memory_space<vmem>>) target(%dma_start3A_180 : memref<5016x128xf32, #tpu.memory_space<vmem_shared>>) offsets(%dma_start3A_177 : memref<128xi32, #tpu.memory_space<vmem>>) semaphore(%run_scoped3A_174 : memref<!tpu.dma_semaphore, #tpu.memory_space<semaphore_mem>>) {add = true}
            %dma_wait3A_181 = arith.constant 0 : i32
            %dma_wait3A_182 = tpu.memref_slice %arg8[%run_scoped3A, %dma_wait3A_181] : memref<1x128xi32, #tpu.memory_space<vmem>> -> memref<1x128xi32, #tpu.memory_space<vmem>>
            %dma_wait3A_183 = tpu.memref_squeeze %dma_wait3A_182 : memref<1x128xi32, #tpu.memory_space<vmem>> -> memref<128xi32, #tpu.memory_space<vmem>>
            %dma_wait3A_184 = arith.constant 0 : i32
            %dma_wait3A_185 = arith.constant 0 : i32
            %dma_wait3A_186 = tpu.memref_slice %arg15[%dma_wait3A_184, %dma_wait3A_185] : memref<5016x128xf32, #tpu.memory_space<vmem_shared>> -> memref<5016x128xf32, #tpu.memory_space<vmem_shared>>
            tpu.wait_indirect_dma semaphore(%run_scoped3A_174 : memref<!tpu.dma_semaphore, #tpu.memory_space<semaphore_mem>>) src(%arg9 : memref<128x128xf32, #tpu.memory_space<vmem>>) dst(%dma_wait3A_186 : memref<5016x128xf32, #tpu.memory_space<vmem_shared>>)
            tpu.yield
          }) : () -> ()
        } else {
        }
        %rem3A_147 = arith.constant 2 : i32
        %rem3A_148 = arith.remsi %while3A_138, %rem3A_147 : i32
        %eq3A_149 = arith.constant 1 : i32
        %eq3A_150 = arith.cmpi eq, %rem3A_148, %eq3A_149 : i32
        %convert_element_type3A_151 = arith.extui %eq3A_150 : i1 to i32
        %cond3A_152 = arith.constant 0 : i32
        %cond3A_153 = arith.cmpi ne, %convert_element_type3A_151, %cond3A_152 : i32
        scf.if %cond3A_153 {
          %mul3A_155 = arith.constant 128 : i32
          %mul3A_156 = arith.muli %while3A_138, %mul3A_155 : i32
          %dma_wait3A_157 = tpu.memref_slice %arg7[%mul3A_156] : memref<6528xi32, #tpu.memory_space<vmem>> -> memref<128xi32, #tpu.memory_space<vmem>>
          %dma_wait3A_158 = arith.constant 0 : i32
          %dma_wait3A_159 = arith.constant 0 : i32
          %dma_wait3A_160 = tpu.memref_slice %arg3[%dma_wait3A_158, %dma_wait3A_159] : memref<100000x128xf32, #tpu.memory_space<hbm>> -> memref<100000x128xf32, #tpu.memory_space<hbm>>
          tpu.wait_indirect_dma semaphore(%arg12 : memref<!tpu.dma_semaphore, #tpu.memory_space<semaphore_mem>>) src(%dma_wait3A_160 : memref<100000x128xf32, #tpu.memory_space<hbm>>) dst(%arg10 : memref<128x128xf32, #tpu.memory_space<vmem>>)
          %add3A_161 = arith.constant 1 : i32
          %add3A_162 = arith.addi %while3A_138, %add3A_161 : i32
          %lt3A_163 = arith.cmpi slt, %add3A_162, %select_n3A_90 : i32
          %convert_element_type3A_164 = arith.extui %lt3A_163 : i1 to i32
          %cond3A_165 = arith.constant 0 : i32
          %cond3A_166 = arith.cmpi ne, %convert_element_type3A_164, %cond3A_165 : i32
          scf.if %cond3A_166 {
            %add3A_174 = arith.constant 1 : i32
            %add3A_175 = arith.addi %while3A_138, %add3A_174 : i32
            %mul3A_176 = arith.constant 128 : i32
            %mul3A_177 = arith.muli %add3A_175, %mul3A_176 : i32
            %dma_start3A_178 = tpu.memref_slice %arg7[%mul3A_177] : memref<6528xi32, #tpu.memory_space<vmem>> -> memref<128xi32, #tpu.memory_space<vmem>>
            %dma_start3A_179 = arith.constant 0 : i32
            %dma_start3A_180 = arith.constant 0 : i32
            %dma_start3A_181 = tpu.memref_slice %arg3[%dma_start3A_179, %dma_start3A_180] : memref<100000x128xf32, #tpu.memory_space<hbm>> -> memref<100000x128xf32, #tpu.memory_space<hbm>>
            tpu.enqueue_indirect_dma source(%dma_start3A_181 : memref<100000x128xf32, #tpu.memory_space<hbm>>) target(%arg9 : memref<128x128xf32, #tpu.memory_space<vmem>>) offsets(%dma_start3A_178 : memref<128xi32, #tpu.memory_space<vmem>>) semaphore(%arg11 : memref<!tpu.dma_semaphore, #tpu.memory_space<semaphore_mem>>)
          } else {
          }
          %scan3A_167 = arith.constant 0 : i32
          %scan3A_168 = arith.constant 0 : i32
          %scan3A_169 = arith.constant 8 : i32
          %scan3A_170 = arith.addi %scan3A_168, %scan3A_169 : i32
          %scan3A_171 = arith.constant 1 : i32
          %scan3A_172 = scf.for %scan3A_174 = %scan3A_168 to %scan3A_170 step %scan3A_171 iter_args(%scan3A_175 = %scan3A_167) -> (i32)  : i32 {
            %mul3A_176 = arith.constant 128 : i32
            %mul3A_177 = arith.muli %while3A_138, %mul3A_176 : i32
            %mul3A_178 = arith.constant 16 : i32
            %mul3A_179 = arith.muli %scan3A_174, %mul3A_178 : i32
            %add3A_180 = arith.addi %mul3A_177, %mul3A_179 : i32
            %get3A = arith.index_cast %add3A_180 : i32 to index
            %get3A_181 = tpu.vector_load %arg6[%get3A] {strides = array<i32>} : memref<6528xi32, #tpu.memory_space<vmem>>, vector<16xi32>,
            %mul3A_182 = arith.constant 16 : i32
            %mul3A_183 = arith.muli %scan3A_174, %mul3A_182 : i32
            %swap3A = arith.constant 0 : i32
            %swap3A_184 = arith.index_cast %swap3A : i32 to index
            %swap3A_185 = arith.index_cast %mul3A_183 : i32 to index
            %swap3A_186 = tpu.vector_load %arg8[%swap3A_184, %swap3A_185] {strides = array<i32>} : memref<1x128xi32, #tpu.memory_space<vmem>>, vector<16xi32>,
            tpu.vector_store %arg8[%swap3A_184, %swap3A_185], %get3A_181 {strides = array<i32>} : memref<1x128xi32, #tpu.memory_space<vmem>>, vector<16xi32>,
            %scan3A_187 = arith.constant 0 : i32
            scf.yield %scan3A_187 : i32
          }
          %scan3A_173 = arith.constant 8 : i32
          %run_scoped3A = arith.constant 0 : i32
          "tpu.region"() ({
            %run_scoped3A_174 = tpu.sem_alloc : memref<!tpu.dma_semaphore, #tpu.memory_space<semaphore_mem>>
            %dma_start3A_175 = arith.constant 0 : i32
            %dma_start3A_176 = tpu.memref_slice %arg8[%run_scoped3A, %dma_start3A_175] : memref<1x128xi32, #tpu.memory_space<vmem>> -> memref<1x128xi32, #tpu.memory_space<vmem>>
            %dma_start3A_177 = tpu.memref_squeeze %dma_start3A_176 : memref<1x128xi32, #tpu.memory_space<vmem>> -> memref<128xi32, #tpu.memory_space<vmem>>
            %dma_start3A_178 = arith.constant 0 : i32
            %dma_start3A_179 = arith.constant 0 : i32
            %dma_start3A_180 = tpu.memref_slice %arg15[%dma_start3A_178, %dma_start3A_179] : memref<5016x128xf32, #tpu.memory_space<vmem_shared>> -> memref<5016x128xf32, #tpu.memory_space<vmem_shared>>
            tpu.enqueue_indirect_dma source(%arg10 : memref<128x128xf32, #tpu.memory_space<vmem>>) target(%dma_start3A_180 : memref<5016x128xf32, #tpu.memory_space<vmem_shared>>) offsets(%dma_start3A_177 : memref<128xi32, #tpu.memory_space<vmem>>) semaphore(%run_scoped3A_174 : memref<!tpu.dma_semaphore, #tpu.memory_space<semaphore_mem>>) {add = true}
            %dma_wait3A_181 = arith.constant 0 : i32
            %dma_wait3A_182 = tpu.memref_slice %arg8[%run_scoped3A, %dma_wait3A_181] : memref<1x128xi32, #tpu.memory_space<vmem>> -> memref<1x128xi32, #tpu.memory_space<vmem>>
            %dma_wait3A_183 = tpu.memref_squeeze %dma_wait3A_182 : memref<1x128xi32, #tpu.memory_space<vmem>> -> memref<128xi32, #tpu.memory_space<vmem>>
            %dma_wait3A_184 = arith.constant 0 : i32
            %dma_wait3A_185 = arith.constant 0 : i32
            %dma_wait3A_186 = tpu.memref_slice %arg15[%dma_wait3A_184, %dma_wait3A_185] : memref<5016x128xf32, #tpu.memory_space<vmem_shared>> -> memref<5016x128xf32, #tpu.memory_space<vmem_shared>>
            tpu.wait_indirect_dma semaphore(%run_scoped3A_174 : memref<!tpu.dma_semaphore, #tpu.memory_space<semaphore_mem>>) src(%arg10 : memref<128x128xf32, #tpu.memory_space<vmem>>) dst(%dma_wait3A_186 : memref<5016x128xf32, #tpu.memory_space<vmem_shared>>)
            tpu.yield
          }) : () -> ()
        } else {
        }
        %while3A_154 = arith.constant 0 : i32
        scf.yield %while3A_154 : i32
      }
      %while3A_121 = arith.constant 1 : i32
      %while3A_122 = scf.for %while3A_138 = %while3A_118 to %while3A_114 step %while3A_121 iter_args(%while3A_139 = %while3A_120) -> (i32)  : i32 {
        %rem3A_140 = arith.constant 2 : i32
        %rem3A_141 = arith.remsi %while3A_138, %rem3A_140 : i32
        %eq3A_142 = arith.constant 0 : i32
        %eq3A_143 = arith.cmpi eq, %rem3A_141, %eq3A_142 : i32
        %convert_element_type3A_144 = arith.extui %eq3A_143 : i1 to i32
        %cond3A_145 = arith.constant 0 : i32
        %cond3A_146 = arith.cmpi ne, %convert_element_type3A_144, %cond3A_145 : i32
        scf.if %cond3A_146 {
          %mul3A_155 = arith.constant 128 : i32
          %mul3A_156 = arith.muli %while3A_138, %mul3A_155 : i32
          %dma_wait3A_157 = tpu.memref_slice %arg7[%mul3A_156] : memref<6528xi32, #tpu.memory_space<vmem>> -> memref<128xi32, #tpu.memory_space<vmem>>
          %dma_wait3A_158 = arith.constant 0 : i32
          %dma_wait3A_159 = arith.constant 0 : i32
          %dma_wait3A_160 = tpu.memref_slice %arg3[%dma_wait3A_158, %dma_wait3A_159] : memref<100000x128xf32, #tpu.memory_space<hbm>> -> memref<100000x128xf32, #tpu.memory_space<hbm>>
          tpu.wait_indirect_dma semaphore(%arg11 : memref<!tpu.dma_semaphore, #tpu.memory_space<semaphore_mem>>) src(%dma_wait3A_160 : memref<100000x128xf32, #tpu.memory_space<hbm>>) dst(%arg9 : memref<128x128xf32, #tpu.memory_space<vmem>>)
          %add3A_161 = arith.constant 1 : i32
          %add3A_162 = arith.addi %while3A_138, %add3A_161 : i32
          %lt3A_163 = arith.cmpi slt, %add3A_162, %select_n3A_90 : i32
          %convert_element_type3A_164 = arith.extui %lt3A_163 : i1 to i32
          %cond3A_165 = arith.constant 0 : i32
          %cond3A_166 = arith.cmpi ne, %convert_element_type3A_164, %cond3A_165 : i32
          scf.if %cond3A_166 {
            %add3A_174 = arith.constant 1 : i32
            %add3A_175 = arith.addi %while3A_138, %add3A_174 : i32
            %mul3A_176 = arith.constant 128 : i32
            %mul3A_177 = arith.muli %add3A_175, %mul3A_176 : i32
            %dma_start3A_178 = tpu.memref_slice %arg7[%mul3A_177] : memref<6528xi32, #tpu.memory_space<vmem>> -> memref<128xi32, #tpu.memory_space<vmem>>
            %dma_start3A_179 = arith.constant 0 : i32
            %dma_start3A_180 = arith.constant 0 : i32
            %dma_start3A_181 = tpu.memref_slice %arg3[%dma_start3A_179, %dma_start3A_180] : memref<100000x128xf32, #tpu.memory_space<hbm>> -> memref<100000x128xf32, #tpu.memory_space<hbm>>
            tpu.enqueue_indirect_dma source(%dma_start3A_181 : memref<100000x128xf32, #tpu.memory_space<hbm>>) target(%arg10 : memref<128x128xf32, #tpu.memory_space<vmem>>) offsets(%dma_start3A_178 : memref<128xi32, #tpu.memory_space<vmem>>) semaphore(%arg12 : memref<!tpu.dma_semaphore, #tpu.memory_space<semaphore_mem>>)
          } else {
          }
          %scan3A_167 = arith.constant 0 : i32
          %scan3A_168 = arith.constant 0 : i32
          %scan3A_169 = arith.constant 8 : i32
          %scan3A_170 = arith.addi %scan3A_168, %scan3A_169 : i32
          %scan3A_171 = arith.constant 1 : i32
          %scan3A_172 = scf.for %scan3A_174 = %scan3A_168 to %scan3A_170 step %scan3A_171 iter_args(%scan3A_175 = %scan3A_167) -> (i32)  : i32 {
            %mul3A_176 = arith.constant 128 : i32
            %mul3A_177 = arith.muli %while3A_138, %mul3A_176 : i32
            %mul3A_178 = arith.constant 16 : i32
            %mul3A_179 = arith.muli %scan3A_174, %mul3A_178 : i32
            %add3A_180 = arith.addi %mul3A_177, %mul3A_179 : i32
            %get3A = arith.index_cast %add3A_180 : i32 to index
            %get3A_181 = tpu.vector_load %arg6[%get3A] {strides = array<i32>} : memref<6528xi32, #tpu.memory_space<vmem>>, vector<16xi32>,
            %mul3A_182 = arith.constant 16 : i32
            %mul3A_183 = arith.muli %scan3A_174, %mul3A_182 : i32
            %swap3A = arith.constant 0 : i32
            %swap3A_184 = arith.index_cast %swap3A : i32 to index
            %swap3A_185 = arith.index_cast %mul3A_183 : i32 to index
            %swap3A_186 = tpu.vector_load %arg8[%swap3A_184, %swap3A_185] {strides = array<i32>} : memref<1x128xi32, #tpu.memory_space<vmem>>, vector<16xi32>,
            tpu.vector_store %arg8[%swap3A_184, %swap3A_185], %get3A_181 {strides = array<i32>} : memref<1x128xi32, #tpu.memory_space<vmem>>, vector<16xi32>,
            %scan3A_187 = arith.constant 0 : i32
            scf.yield %scan3A_187 : i32
          }
          %scan3A_173 = arith.constant 8 : i32
          %run_scoped3A = arith.constant 0 : i32
          "tpu.region"() ({
            %run_scoped3A_174 = tpu.sem_alloc : memref<!tpu.dma_semaphore, #tpu.memory_space<semaphore_mem>>
            %dma_start3A_175 = arith.constant 0 : i32
            %dma_start3A_176 = tpu.memref_slice %arg8[%run_scoped3A, %dma_start3A_175] : memref<1x128xi32, #tpu.memory_space<vmem>> -> memref<1x128xi32, #tpu.memory_space<vmem>>
            %dma_start3A_177 = tpu.memref_squeeze %dma_start3A_176 : memref<1x128xi32, #tpu.memory_space<vmem>> -> memref<128xi32, #tpu.memory_space<vmem>>
            %dma_start3A_178 = arith.constant 0 : i32
            %dma_start3A_179 = arith.constant 0 : i32
            %dma_start3A_180 = tpu.memref_slice %arg15[%dma_start3A_178, %dma_start3A_179] : memref<5016x128xf32, #tpu.memory_space<vmem_shared>> -> memref<5016x128xf32, #tpu.memory_space<vmem_shared>>
            tpu.enqueue_indirect_dma source(%arg9 : memref<128x128xf32, #tpu.memory_space<vmem>>) target(%dma_start3A_180 : memref<5016x128xf32, #tpu.memory_space<vmem_shared>>) offsets(%dma_start3A_177 : memref<128xi32, #tpu.memory_space<vmem>>) semaphore(%run_scoped3A_174 : memref<!tpu.dma_semaphore, #tpu.memory_space<semaphore_mem>>) {add = true}
            %dma_wait3A_181 = arith.constant 0 : i32
            %dma_wait3A_182 = tpu.memref_slice %arg8[%run_scoped3A, %dma_wait3A_181] : memref<1x128xi32, #tpu.memory_space<vmem>> -> memref<1x128xi32, #tpu.memory_space<vmem>>
            %dma_wait3A_183 = tpu.memref_squeeze %dma_wait3A_182 : memref<1x128xi32, #tpu.memory_space<vmem>> -> memref<128xi32, #tpu.memory_space<vmem>>
            %dma_wait3A_184 = arith.constant 0 : i32
            %dma_wait3A_185 = arith.constant 0 : i32
            %dma_wait3A_186 = tpu.memref_slice %arg15[%dma_wait3A_184, %dma_wait3A_185] : memref<5016x128xf32, #tpu.memory_space<vmem_shared>> -> memref<5016x128xf32, #tpu.memory_space<vmem_shared>>
            tpu.wait_indirect_dma semaphore(%run_scoped3A_174 : memref<!tpu.dma_semaphore, #tpu.memory_space<semaphore_mem>>) src(%arg9 : memref<128x128xf32, #tpu.memory_space<vmem>>) dst(%dma_wait3A_186 : memref<5016x128xf32, #tpu.memory_space<vmem_shared>>)
            tpu.yield
          }) : () -> ()
        } else {
        }
        %rem3A_147 = arith.constant 2 : i32
        %rem3A_148 = arith.remsi %while3A_138, %rem3A_147 : i32
        %eq3A_149 = arith.constant 1 : i32
        %eq3A_150 = arith.cmpi eq, %rem3A_148, %eq3A_149 : i32
        %convert_element_type3A_151 = arith.extui %eq3A_150 : i1 to i32
        %cond3A_152 = arith.constant 0 : i32
        %cond3A_153 = arith.cmpi ne, %convert_element_type3A_151, %cond3A_152 : i32
        scf.if %cond3A_153 {
          %mul3A_155 = arith.constant 128 : i32
          %mul3A_156 = arith.muli %while3A_138, %mul3A_155 : i32
          %dma_wait3A_157 = tpu.memref_slice %arg7[%mul3A_156] : memref<6528xi32, #tpu.memory_space<vmem>> -> memref<128xi32, #tpu.memory_space<vmem>>
          %dma_wait3A_158 = arith.constant 0 : i32
          %dma_wait3A_159 = arith.constant 0 : i32
          %dma_wait3A_160 = tpu.memref_slice %arg3[%dma_wait3A_158, %dma_wait3A_159] : memref<100000x128xf32, #tpu.memory_space<hbm>> -> memref<100000x128xf32, #tpu.memory_space<hbm>>
          tpu.wait_indirect_dma semaphore(%arg12 : memref<!tpu.dma_semaphore, #tpu.memory_space<semaphore_mem>>) src(%dma_wait3A_160 : memref<100000x128xf32, #tpu.memory_space<hbm>>) dst(%arg10 : memref<128x128xf32, #tpu.memory_space<vmem>>)
          %add3A_161 = arith.constant 1 : i32
          %add3A_162 = arith.addi %while3A_138, %add3A_161 : i32
          %lt3A_163 = arith.cmpi slt, %add3A_162, %select_n3A_90 : i32
          %convert_element_type3A_164 = arith.extui %lt3A_163 : i1 to i32
          %cond3A_165 = arith.constant 0 : i32
          %cond3A_166 = arith.cmpi ne, %convert_element_type3A_164, %cond3A_165 : i32
          scf.if %cond3A_166 {
            %add3A_174 = arith.constant 1 : i32
            %add3A_175 = arith.addi %while3A_138, %add3A_174 : i32
            %mul3A_176 = arith.constant 128 : i32
            %mul3A_177 = arith.muli %add3A_175, %mul3A_176 : i32
            %dma_start3A_178 = tpu.memref_slice %arg7[%mul3A_177] : memref<6528xi32, #tpu.memory_space<vmem>> -> memref<128xi32, #tpu.memory_space<vmem>>
            %dma_start3A_179 = arith.constant 0 : i32
            %dma_start3A_180 = arith.constant 0 : i32
            %dma_start3A_181 = tpu.memref_slice %arg3[%dma_start3A_179, %dma_start3A_180] : memref<100000x128xf32, #tpu.memory_space<hbm>> -> memref<100000x128xf32, #tpu.memory_space<hbm>>
            tpu.enqueue_indirect_dma source(%dma_start3A_181 : memref<100000x128xf32, #tpu.memory_space<hbm>>) target(%arg9 : memref<128x128xf32, #tpu.memory_space<vmem>>) offsets(%dma_start3A_178 : memref<128xi32, #tpu.memory_space<vmem>>) semaphore(%arg11 : memref<!tpu.dma_semaphore, #tpu.memory_space<semaphore_mem>>)
          } else {
          }
          %scan3A_167 = arith.constant 0 : i32
          %scan3A_168 = arith.constant 0 : i32
          %scan3A_169 = arith.constant 8 : i32
          %scan3A_170 = arith.addi %scan3A_168, %scan3A_169 : i32
          %scan3A_171 = arith.constant 1 : i32
          %scan3A_172 = scf.for %scan3A_174 = %scan3A_168 to %scan3A_170 step %scan3A_171 iter_args(%scan3A_175 = %scan3A_167) -> (i32)  : i32 {
            %mul3A_176 = arith.constant 128 : i32
            %mul3A_177 = arith.muli %while3A_138, %mul3A_176 : i32
            %mul3A_178 = arith.constant 16 : i32
            %mul3A_179 = arith.muli %scan3A_174, %mul3A_178 : i32
            %add3A_180 = arith.addi %mul3A_177, %mul3A_179 : i32
            %get3A = arith.index_cast %add3A_180 : i32 to index
            %get3A_181 = tpu.vector_load %arg6[%get3A] {strides = array<i32>} : memref<6528xi32, #tpu.memory_space<vmem>>, vector<16xi32>,
            %mul3A_182 = arith.constant 16 : i32
            %mul3A_183 = arith.muli %scan3A_174, %mul3A_182 : i32
            %swap3A = arith.constant 0 : i32
            %swap3A_184 = arith.index_cast %swap3A : i32 to index
            %swap3A_185 = arith.index_cast %mul3A_183 : i32 to index
            %swap3A_186 = tpu.vector_load %arg8[%swap3A_184, %swap3A_185] {strides = array<i32>} : memref<1x128xi32, #tpu.memory_space<vmem>>, vector<16xi32>,
            tpu.vector_store %arg8[%swap3A_184, %swap3A_185], %get3A_181 {strides = array<i32>} : memref<1x128xi32, #tpu.memory_space<vmem>>, vector<16xi32>,
            %scan3A_187 = arith.constant 0 : i32
            scf.yield %scan3A_187 : i32
          }
          %scan3A_173 = arith.constant 8 : i32
          %run_scoped3A = arith.constant 0 : i32
          "tpu.region"() ({
            %run_scoped3A_174 = tpu.sem_alloc : memref<!tpu.dma_semaphore, #tpu.memory_space<semaphore_mem>>
            %dma_start3A_175 = arith.constant 0 : i32
            %dma_start3A_176 = tpu.memref_slice %arg8[%run_scoped3A, %dma_start3A_175] : memref<1x128xi32, #tpu.memory_space<vmem>> -> memref<1x128xi32, #tpu.memory_space<vmem>>
            %dma_start3A_177 = tpu.memref_squeeze %dma_start3A_176 : memref<1x128xi32, #tpu.memory_space<vmem>> -> memref<128xi32, #tpu.memory_space<vmem>>
            %dma_start3A_178 = arith.constant 0 : i32
            %dma_start3A_179 = arith.constant 0 : i32
            %dma_start3A_180 = tpu.memref_slice %arg15[%dma_start3A_178, %dma_start3A_179] : memref<5016x128xf32, #tpu.memory_space<vmem_shared>> -> memref<5016x128xf32, #tpu.memory_space<vmem_shared>>
            tpu.enqueue_indirect_dma source(%arg10 : memref<128x128xf32, #tpu.memory_space<vmem>>) target(%dma_start3A_180 : memref<5016x128xf32, #tpu.memory_space<vmem_shared>>) offsets(%dma_start3A_177 : memref<128xi32, #tpu.memory_space<vmem>>) semaphore(%run_scoped3A_174 : memref<!tpu.dma_semaphore, #tpu.memory_space<semaphore_mem>>) {add = true}
            %dma_wait3A_181 = arith.constant 0 : i32
            %dma_wait3A_182 = tpu.memref_slice %arg8[%run_scoped3A, %dma_wait3A_181] : memref<1x128xi32, #tpu.memory_space<vmem>> -> memref<1x128xi32, #tpu.memory_space<vmem>>
            %dma_wait3A_183 = tpu.memref_squeeze %dma_wait3A_182 : memref<1x128xi32, #tpu.memory_space<vmem>> -> memref<128xi32, #tpu.memory_space<vmem>>
            %dma_wait3A_184 = arith.constant 0 : i32
            %dma_wait3A_185 = arith.constant 0 : i32
            %dma_wait3A_186 = tpu.memref_slice %arg15[%dma_wait3A_184, %dma_wait3A_185] : memref<5016x128xf32, #tpu.memory_space<vmem_shared>> -> memref<5016x128xf32, #tpu.memory_space<vmem_shared>>
            tpu.wait_indirect_dma semaphore(%run_scoped3A_174 : memref<!tpu.dma_semaphore, #tpu.memory_space<semaphore_mem>>) src(%arg10 : memref<128x128xf32, #tpu.memory_space<vmem>>) dst(%dma_wait3A_186 : memref<5016x128xf32, #tpu.memory_space<vmem_shared>>)
            tpu.yield
          }) : () -> ()
        } else {
        }
        %while3A_154 = arith.constant 0 : i32
        scf.yield %while3A_154 : i32
      }
      %barrier3A_123 = arith.constant 0 : index
      tpu.barrier barrier_id(%barrier3A_123)
      %mul3A_124 = arith.constant 312 : i32
      %mul3A_125 = arith.muli %arg1, %mul3A_124 : i32
      %mul3A_126 = arith.constant 312 : i32
      %mul3A_127 = arith.muli %arg1, %mul3A_126 : i32
      %add3A_128 = arith.addi %add3A_51, %mul3A_127 : i32
      %dma_start3A = arith.constant 0 : i32
      %dma_start3A_129 = tpu.memref_slice %arg4[%add3A_128, %dma_start3A] : memref<200000x128xf32, #tpu.memory_space<hbm>> -> memref<312x128xf32, #tpu.memory_space<hbm>>
      %dma_start3A_130 = arith.constant 0 : i32
      %dma_start3A_131 = tpu.memref_slice %arg15[%mul3A_125, %dma_start3A_130] : memref<5016x128xf32, #tpu.memory_space<vmem_shared>> -> memref<312x128xf32, #tpu.memory_space<vmem_shared>>
      tpu.enqueue_dma source(%dma_start3A_131 : memref<312x128xf32, #tpu.memory_space<vmem_shared>>) target(%dma_start3A_129 : memref<312x128xf32, #tpu.memory_space<hbm>>) target_semaphore(%arg13 : memref<!tpu.dma_semaphore, #tpu.memory_space<semaphore_mem>>)
      %eq3A_132 = arith.constant 15 : i32
      %eq3A_133 = arith.cmpi eq, %arg1, %eq3A_132 : i32
      %convert_element_type3A_134 = arith.extui %eq3A_133 : i1 to i32
      %cond3A_135 = arith.constant 0 : i32
      %cond3A_136 = arith.cmpi ne, %convert_element_type3A_134, %cond3A_135 : i32
      scf.if %cond3A_136 {
        %add3A_138 = arith.constant 4992 : i32
        %add3A_139 = arith.addi %add3A_51, %add3A_138 : i32
        %dma_start3A_140 = arith.constant 0 : i32
        %dma_start3A_141 = tpu.memref_slice %arg4[%add3A_139, %dma_start3A_140] : memref<200000x128xf32, #tpu.memory_space<hbm>> -> memref<8x128xf32, #tpu.memory_space<hbm>>
        %dma_start3A_142 = arith.constant 4992 : i32
        %dma_start3A_143 = arith.constant 0 : i32
        %dma_start3A_144 = tpu.memref_slice %arg15[%dma_start3A_142, %dma_start3A_143] : memref<5016x128xf32, #tpu.memory_space<vmem_shared>> -> memref<8x128xf32, #tpu.memory_space<vmem_shared>>
        tpu.enqueue_dma source(%dma_start3A_144 : memref<8x128xf32, #tpu.memory_space<vmem_shared>>) target(%dma_start3A_141 : memref<8x128xf32, #tpu.memory_space<hbm>>) target_semaphore(%arg13 : memref<!tpu.dma_semaphore, #tpu.memory_space<semaphore_mem>>)
      } else {
      }
      %scan3A_137 = arith.constant 0 : i32
      scf.yield %scan3A_137 : i32
    }
    %scan3A_29 = arith.constant 20 : i32
    %mul3A_30 = arith.constant 100000 : i32
    %mul3A_31 = arith.muli %arg0, %mul3A_30 : i32
    %add3A_32 = arith.constant 95000 : i32
    %add3A_33 = arith.addi %mul3A_31, %add3A_32 : i32
    %mul3A_34 = arith.constant 312 : i32
    %mul3A_35 = arith.muli %arg1, %mul3A_34 : i32
    %mul3A_36 = arith.constant 312 : i32
    %mul3A_37 = arith.muli %arg1, %mul3A_36 : i32
    %add3A_38 = arith.addi %add3A_33, %mul3A_37 : i32
    %dma_wait3A = arith.constant 0 : i32
    %dma_wait3A_39 = tpu.memref_slice %arg4[%add3A_38, %dma_wait3A] : memref<200000x128xf32, #tpu.memory_space<hbm>> -> memref<312x128xf32, #tpu.memory_space<hbm>>
    %dma_wait3A_40 = arith.constant 0 : i32
    %dma_wait3A_41 = tpu.memref_slice %arg15[%mul3A_35, %dma_wait3A_40] : memref<5016x128xf32, #tpu.memory_space<vmem_shared>> -> memref<312x128xf32, #tpu.memory_space<vmem_shared>>
    tpu.wait_dma2 semaphore(%arg13 : memref<!tpu.dma_semaphore, #tpu.memory_space<semaphore_mem>>) src(%dma_wait3A_41 : memref<312x128xf32, #tpu.memory_space<vmem_shared>>) dst(%dma_wait3A_39 : memref<312x128xf32, #tpu.memory_space<hbm>>)
    %eq3A_42 = arith.constant 15 : i32
    %eq3A_43 = arith.cmpi eq, %arg1, %eq3A_42 : i32
    %convert_element_type3A = arith.extui %eq3A_43 : i1 to i32
    %cond3A = arith.constant 0 : i32
    %cond3A_44 = arith.cmpi ne, %convert_element_type3A, %cond3A : i32
    scf.if %cond3A_44 {
      %add3A_45 = arith.constant 4992 : i32
      %add3A_46 = arith.addi %add3A_33, %add3A_45 : i32
      %dma_wait3A_47 = arith.constant 0 : i32
      %dma_wait3A_48 = tpu.memref_slice %arg4[%add3A_46, %dma_wait3A_47] : memref<200000x128xf32, #tpu.memory_space<hbm>> -> memref<8x128xf32, #tpu.memory_space<hbm>>
      %dma_wait3A_49 = arith.constant 4992 : i32
      %dma_wait3A_50 = arith.constant 0 : i32
      %dma_wait3A_51 = tpu.memref_slice %arg15[%dma_wait3A_49, %dma_wait3A_50] : memref<5016x128xf32, #tpu.memory_space<vmem_shared>> -> memref<8x128xf32, #tpu.memory_space<vmem_shared>>
      tpu.wait_dma2 semaphore(%arg13 : memref<!tpu.dma_semaphore, #tpu.memory_space<semaphore_mem>>) src(%dma_wait3A_51 : memref<8x128xf32, #tpu.memory_space<vmem_shared>>) dst(%dma_wait3A_48 : memref<8x128xf32, #tpu.memory_space<hbm>>)
    } else {
    }
    return
  }
}

module attributes {stable_mosaic.version = 14 : i64} {
  func.func @_pad_body(%arg0: i32, %arg1: memref<100x2048xf32, #tpu.memory_space<vmem>>, %arg2: memref<2048x128xf32, #tpu.memory_space<vmem>>) attributes {dimension_semantics = [#tpu.dimension_semantics<arbitrary>], iteration_bounds = array<i64: 49>, scalar_prefetch = 0 : i64, scratch_operands = 0 : i64, tpu.core_type = #tpu.core_type<tc>, window_params = [{transform_indices = @transform_0, window_bounds = array<i64: 100, 2048>}, {transform_indices = @transform_1, window_bounds = array<i64: 2048, 128>}]} {
    %get3A = arith.constant 0 : index
    %get3A_0 = arith.constant 0 : index
    %get3A_1 = vector.load %arg1[%get3A, %get3A_0] : memref<100x2048xf32, #tpu.memory_space<vmem>>, vector<100x2048xf32>
    %transpose3A = tpu.transpose %get3A_1, [1, 0] : vector<100x2048xf32> -> vector<2048x100xf32>
    %broadcast_in_dim3A = arith.constant 0.000000e+00 : f32
    %broadcast_in_dim3A_2 = vector.broadcast %broadcast_in_dim3A : f32 to vector<2048x28xf32>
    %concatenate3A = tpu.concatenate %transpose3A, %broadcast_in_dim3A_2 in 1 : vector<2048x100xf32>, vector<2048x28xf32> -> vector<2048x128xf32>
    %swap3A = arith.constant 0 : index
    %swap3A_3 = arith.constant 0 : index
    %swap3A_4 = vector.load %arg2[%swap3A, %swap3A_3] : memref<2048x128xf32, #tpu.memory_space<vmem>>, vector<2048x128xf32>
    tpu.vector_store %arg2[%swap3A, %swap3A_3], %concatenate3A {strides = array<i32>} : memref<2048x128xf32, #tpu.memory_space<vmem>>, vector<2048x128xf32>,
    return
  }
  func.func @transform_0(%arg0: i32) -> (i32, i32) {
    %c0_i32 = arith.constant 0 : i32
    %c0_i32_0 = arith.constant 0 : i32
    return %c0_i32, %arg0 : i32, i32
  }
  func.func @transform_1(%arg0: i32) -> (i32, i32) {
    %c0_i32 = arith.constant 0 : i32
    %c0_i32_0 = arith.constant 0 : i32
    return %arg0, %c0_i32 : i32, i32
  }
}

module attributes {stable_mosaic.version = 14 : i64} {
  func.func @_matmul_body(%arg0: i32, %arg1: memref<100x2048xf32, #tpu.memory_space<vmem>>, %arg2: memref<100x100xf32, #tpu.memory_space<vmem>>, %arg3: memref<100xf32, #tpu.memory_space<vmem>>, %arg4: memref<2048x128xf32, #tpu.memory_space<vmem>>, %arg5: memref<100x2048xf32, #tpu.memory_space<vmem>>) attributes {dimension_semantics = [#tpu.dimension_semantics<arbitrary>], iteration_bounds = array<i64: 98>, scalar_prefetch = 0 : i64, scratch_operands = 0 : i64, tpu.core_type = #tpu.core_type<tc>, window_params = [{transform_indices = @transform_0, window_bounds = array<i64: 100, 2048>}, {pipeline_mode = #tpu.pipeline_mode<synchronous>, transform_indices = @transform_1, window_bounds = array<i64: 100, 100>}, {pipeline_mode = #tpu.pipeline_mode<synchronous>, transform_indices = @transform_2, window_bounds = array<i64: 100>}, {transform_indices = @transform_3, window_bounds = array<i64: 2048, 128>}, {transform_indices = @transform_4, window_bounds = array<i64: 100, 2048>}]} {
    %get3A = arith.constant 0 : index
    %get3A_0 = arith.constant 0 : index
    %get3A_1 = vector.load %arg2[%get3A, %get3A_0] : memref<100x100xf32, #tpu.memory_space<vmem>>, vector<100x100xf32>
    %get3A_2 = arith.constant 0 : index
    %get3A_3 = arith.constant 0 : index
    %get3A_4 = vector.load %arg1[%get3A_2, %get3A_3] : memref<100x2048xf32, #tpu.memory_space<vmem>>, vector<100x2048xf32>
    %dot_general3A = arith.constant dense<0.000000e+00> : vector<100x2048xf32>
    %dot_general3A_5 = tpu.matmul %get3A_1, %get3A_4, %dot_general3A {dimension_numbers = #tpu.dot_dimension_numbers<[1], [0], [0], [1], [0, 0, 1, 1], [], []>, transpose_lhs_hint = false} : vector<100x100xf32>, vector<100x2048xf32>, vector<100x2048xf32> -> vector<100x2048xf32>
    %get3A_6 = arith.constant 0 : index
    %get3A_7 = arith.constant 0 : index
    %get3A_8 = vector.load %arg4[%get3A_6, %get3A_7] : memref<2048x128xf32, #tpu.memory_space<vmem>>, vector<2048x128xf32>
    %slice3A = vector.extract_strided_slice %get3A_8 {offsets = [0, 0], sizes = [2048, 100], strides = [1, 1]} : vector<2048x128xf32> to vector<2048x100xf32>
    %transpose3A = tpu.transpose %slice3A, [1, 0] : vector<2048x100xf32> -> vector<100x2048xf32>
    %get3A_9 = arith.constant 0 : index
    %get3A_10 = vector.load %arg3[%get3A_9] : memref<100xf32, #tpu.memory_space<vmem>>, vector<100xf32>
    %broadcast_in_dim3A = vector.shape_cast %get3A_10 : vector<100xf32> to vector<100x1xf32>
    %add3A = vector.broadcast %broadcast_in_dim3A : vector<100x1xf32> to vector<100x2048xf32>
    %add3A_11 = arith.addf %dot_general3A_5, %add3A : vector<100x2048xf32>
    %add3A_12 = arith.addf %add3A_11, %transpose3A : vector<100x2048xf32>
    %swap3A = arith.constant 0 : index
    %swap3A_13 = arith.constant 0 : index
    %swap3A_14 = vector.load %arg5[%swap3A, %swap3A_13] : memref<100x2048xf32, #tpu.memory_space<vmem>>, vector<100x2048xf32>
    tpu.vector_store %arg5[%swap3A, %swap3A_13], %add3A_12 {strides = array<i32>} : memref<100x2048xf32, #tpu.memory_space<vmem>>, vector<100x2048xf32>,
    return
  }
  func.func @transform_0(%arg0: i32) -> (i32, i32) {
    %c0_i32 = arith.constant 0 : i32
    %c0_i32_0 = arith.constant 0 : i32
    return %c0_i32, %arg0 : i32, i32
  }
  func.func @transform_1(%arg0: i32) -> (i32, i32) {
    %c0_i32 = arith.constant 0 : i32
    %c0_i32_0 = arith.constant 0 : i32
    %c0_i32_1 = arith.constant 0 : i32
    return %c0_i32, %c0_i32_0 : i32, i32
  }
  func.func @transform_2(%arg0: i32) -> i32 {
    %c0_i32 = arith.constant 0 : i32
    %c0_i32_0 = arith.constant 0 : i32
    return %c0_i32 : i32
  }
  func.func @transform_3(%arg0: i32) -> (i32, i32) {
    %c0_i32 = arith.constant 0 : i32
    %c0_i32_0 = arith.constant 0 : i32
    return %arg0, %c0_i32 : i32, i32
  }
  func.func @transform_4(%arg0: i32) -> (i32, i32) {
    %c0_i32 = arith.constant 0 : i32
    %c0_i32_0 = arith.constant 0 : i32
    return %c0_i32, %arg0 : i32, i32
  }
}

</mosaic_0001>

<sc_bundles>
// kernel: _run.5.cloned.1.call-start
scs
__scs_entry_jumppad:
0x0: {  	(pc) =	sbr.rel $0x88, $3  }
0x1: {  	(tag) =	ssettag $0x0;
	lr =	simm.s32 $0x1  }
0x2: {  	[smem:$0x3F9C] =	sst lr;
	_ =	strace $0xD0000000  }
0x3: {  	_ = 	snop  }
0x4: {  	_ = 	snop  }
0x5: {  	_ = 	snop  }
0x6: {  	_ = 	snop  }
0x7: {  	_ = 	snop  }
__scs_overlays_trampoline_lowered:
0x8: {  	[smem:$0x3FAB] =	sst s0  }
0x9: {  	[smem:$0x3FAC] =	sst s1  }
0xa: {  	[smem:$0x3FAD] =	sst s2  }
0xb: {  	[smem:$0x3FAE] =	sst s3  }
0xc: {  	[smem:$0x3FAF] =	sst s4  }
0xd: {  	[smem:$0x3FB0] =	sst s5  }
0xe: {  	[smem:$0x3FB1] =	sst s6  }
0xf: {  	[smem:$0x3FB2] =	sst s7  }
0x10: {  	[smem:$0x3FB3] =	sst s8  }
0x11: {  	[smem:$0x3FB4] =	sst s9;
	s0 =	simm.s32 @!p0 $0x0  }
0x12: {  	s1 =	sld [smem:$0x3F9A];
	s0 =	simm.s32 @p0 $0x1  }
0x13: {  	[smem:$0x3FB5] =	sst s0;
	s0 =	simm.s32 @!p1 $0x0  }
0x14: {  	s2 =	sld [smem:$0x3F99];
	s0 =	simm.s32 @p1 $0x1  }
0x15: {  	[smem:$0x3FB6] =	sst s0;
	s0 =	simm.s32 @!p2 $0x0  }
0x16: {  	s3 =	sld [smem:$0x3FDB];
	s0 =	simm.s32 @p2 $0x1  }
0x17: {  	s4 =	simm.s32 $0x1BF5;
	[smem:$0x3FB8] =	sst s0  }
0x18: {  	s0 =	sld [smem:$0x3F9B];
	_ =	swait.ge [sflag:s4], $0x0  }
0x19: {  	s7 =	sld [smem:$0x3F9C]  }
0x1a: {  	s8 =	sadd.s32 $0xFFFFE003, lr  }
0x1b: {  	s9 =	sadd.s32 $0xFFFFFEF7, lr;
	s5 =	simm.s32 $0xFFFFFFFF;
	p2 =	slt.u32 s8, $0xFFFFF086  }
0x1c: {  	p1 =	slt.u32 s9, $0xF7A;
	s5 =	simm.s32 @!p2 $0x0  }
0x1d: {  	s5 =	simm.s32 @p1 $0x1;
	p0 =	seq.s32 s7, s2  }
0x1e: {  	s7 =	smul.u32 @!p0 $0xF7A, s2;
	p2 =	seq.s32 @!p0 s5, $0x0  }
0x1f: {  	s9 =	smul.u32 $0xF7A, s1;
	s8 =	simm.s32 @!p0 $0x1BF5;
	p2 =	por !p2, p0  }
0x20: {  	[sflag:s8] =	ssyncset.s32 @!p0 $0xFFFFF086;
	s6 =	sadd.s32 @!p0 s3, s7;
	s7 =	simm.s32 @!p0 $0x108  }
0x21: {  	s3 =	sadd.s32 s3, s9;
	s6 =	sadd.s32 @!p0 $0x88, s6;
	s7 =	simm.s32 @p2 $0x1082  }
0x22: {  	[simem:s7], [sflag:s8] =	dma.local @!p0 [hbm:s6], $0xF7A  }
0x23: {  	s9 =	sor.u32 $0xD0000000, s2;
	s6 =	simm.s32 $0x108;
	_ =	swait.ge @!p0 [sflag:s8], $0x0  }
0x24: {  	s3 =	sadd.s32 $0x88, s3;
	s6 =	simm.s32 @!p1 $0x1082;
	[sflag:s4] =	ssyncset.s32 $0xFFFFF086  }
0x25: {  	[simem:s6], [sflag:s4] =	dma.local [hbm:s3], $0xF7A  }
0x26: {  	[smem:$0x3F9C] =	sst s1;
	(tag) =	ssettag s2;
	_ =	strace s9  }
0x27: {  	s1 =	sld [smem:$0x3FAC]  }
0x28: {  	s2 =	sld [smem:$0x3FAD]  }
0x29: {  	s4 =	sld [smem:$0x3FAF]  }
0x2a: {  	p0 =	seq.s32 s5, $0x0;
	s5 =	sld [smem:$0x3FB0]  }
0x2b: {  	s6 =	sld [smem:$0x3FB1]  }
0x2c: {  	s7 =	sld [smem:$0x3FB2]  }
0x2d: {  	s3 =	simm.s32 $0x108;
	s8 =	sld [smem:$0x3FB3]  }
0x2e: {  	s3 =	simm.s32 @!p0 $0x1082;
	s9 =	sld [smem:$0x3FB4]  }
0x2f: {  	lr =	sadd.s32 s0, s3;
	s0 =	sld [smem:$0x3FAB]  }
0x30: {  	s3 =	sld [smem:$0x3FAE]  }
0x31: {  	[smem:$0x3FB7] =	sst s10  }
0x32: {  	s10 =	sld [smem:$0x3FB5];
	_ =	sdelay $0x3  }
0x33: {  	p0 =	seq.s32 s10, $0x1;
	s10 =	sld [smem:$0x3FB7];
	_ =	sdelay $0x3  }
0x34: {  	[smem:$0x3FB7] =	sst s10  }
0x35: {  	s10 =	sld [smem:$0x3FB6];
	_ =	sdelay $0x3  }
0x36: {  	p1 =	seq.s32 s10, $0x1;
	s10 =	sld [smem:$0x3FB7];
	_ =	sdelay $0x3  }
0x37: {  	[smem:$0x3FB7] =	sst s10  }
0x38: {  	s10 =	sld [smem:$0x3FB8]  }
0x39: {  	_ = 	snop;
	(pc) =	sbr.ind lr, $3  }
0x3a: {  	_ = 	snop  }
0x3b: {  	_ = 	snop  }
0x3c: {  	p2 =	seq.s32 s10, $0x1;
	s10 =	sld [smem:$0x3FB7]  }
0x3d: {  	_ =	shalt  }
0x3e: {  	_ =	shalt  }
0x3f: {  	_ =	shalt  }
0x40: {  	_ =	shalt  }
0x41: {  	_ =	shalt  }
0x42: {  	_ =	shalt  }
0x43: {  	_ =	shalt  }
0x44: {  	_ =	shalt  }
0x45: {  	_ =	shalt  }
0x46: {  	_ =	shalt  }
0x47: {  	_ =	shalt  }
0x48: {  	_ =	shalt  }
0x49: {  	_ =	shalt  }
0x4a: {  	_ =	shalt  }
0x4b: {  	_ =	shalt  }
0x4c: {  	_ =	shalt  }
0x4d: {  	_ =	shalt  }
0x4e: {  	_ =	shalt  }
0x4f: {  	_ =	shalt  }
0x50: {  	_ =	shalt  }
0x51: {  	_ =	shalt  }
0x52: {  	_ =	shalt  }
0x53: {  	_ =	shalt  }
0x54: {  	_ =	shalt  }
0x55: {  	_ =	shalt  }
0x56: {  	_ =	shalt  }
0x57: {  	_ =	shalt  }
0x58: {  	_ =	shalt  }
0x59: {  	_ =	shalt  }
0x5a: {  	_ =	shalt  }
0x5b: {  	_ =	shalt  }
0x5c: {  	_ =	shalt  }
0x5d: {  	_ =	shalt  }
0x5e: {  	_ =	shalt  }
0x5f: {  	_ =	shalt  }
0x60: {  	_ =	shalt  }
0x61: {  	_ =	shalt  }
0x62: {  	_ =	shalt  }
0x63: {  	_ =	shalt  }
0x64: {  	_ =	shalt  }
0x65: {  	_ =	shalt  }
0x66: {  	_ =	shalt  }
0x67: {  	_ =	shalt  }
0x68: {  	_ =	shalt  }
0x69: {  	_ =	shalt  }
0x6a: {  	_ =	shalt  }
0x6b: {  	_ =	shalt  }
0x6c: {  	_ =	shalt  }
0x6d: {  	_ =	shalt  }
0x6e: {  	_ =	shalt  }
0x6f: {  	_ =	shalt  }
0x70: {  	_ =	shalt  }
0x71: {  	_ =	shalt  }
0x72: {  	_ =	shalt  }
0x73: {  	_ =	shalt  }
0x74: {  	_ =	shalt  }
0x75: {  	_ =	shalt  }
0x76: {  	_ =	shalt  }
0x77: {  	_ =	shalt  }
0x78: {  	_ =	shalt  }
0x79: {  	_ =	shalt  }
0x7a: {  	_ =	shalt  }
0x7b: {  	_ =	shalt  }
0x7c: {  	_ =	shalt  }
0x7d: {  	_ =	shalt  }
0x7e: {  	_ =	shalt  }
0x7f: {  	_ =	shalt  }
0x80: {  	_ =	shalt  }
0x81: {  	_ =	shalt  }
0x82: {  	_ =	shalt  }
0x83: {  	_ =	shalt  }
0x84: {  	_ =	shalt  }
0x85: {  	_ =	shalt  }
0x86: {  	_ =	shalt  }
0x87: {  	_ =	shalt  }
.Lfunc_end0:
.L_simem_size_0:
called_computation_lowered:
.L_overlay_start_0:
0x88: {  	s2 =	sld [smem:$0x3FD9]  }
0x89: {  	s3 =	sld [smem:$0x3FFE];
	_ =	sdelay $0x1  }
0x8a: {  	s1 =	srdreg.scid  }
0x8b: {  	s0 =	sand.u32 $0x1, s1  }
0x8c: {  	s17 =	sshll.u32 s0, $0xA;
	s2 =	sadd.s32 s3, s2  }
0x8d: {  	s2 =	sadd.s32 s2, s17  }
0x8e: {  	[smem:$0x3FC3] =	sst s2  }
0x8f: {  	_ = 	snop  }
0x90: {  	s2 =	sld [smem:$0x3FD0];
	(tm) =	ssettm $0x1  }
0x91: {  	s18 =	sld [smem:$0x3FFB];
	_ =	sdelay $0x3  }
0x92: {  	_ =	strace s18  }
0x93: {  	s3 =	sld [smem:$0x3FFC];
	_ =	sdelay $0x3  }
0x94: {  	_ =	strace s3  }
0x95: {  	s3 =	sld [smem:$0x3FFD];
	_ =	sdelay $0x3  }
0x96: {  	_ =	strace s3  }
0x97: {  	_ =	strace $0x8FFFFFFF  }
0x98: {  	s19 =	sld [smem:$0x3FDB];
	_ =	sdelay $0x1  }
0x99: {  	s4 =	simm.s32 $_scs_section_size  }
0x9a: {  	s5 =	simm.s32 $_size__tile_overlayer_lowered;
	s6 =	simm.s32 $_tile_overlayer_lowered  }
0x9b: {  	s22 =	simm.s32 $0x1BFF;
	s21 =	sshll.u32 s6, $0x1;
	s3 =	sadd.s32 s4, s19  }
0x9c: {  	s7 =	simm.s32 $0x0;
	s20 =	sshll.u32 s5, $0x1;
	s5 =	sadd.s32 s21, s3  }
0x9d: {  	[timem:s7], [sflag:s22] =	dma.local [hbm:s5], s20  }
0x9e: {  	_ =	swait.ge [sflag:s22], s20  }
0x9f: {  	s4 =	ssub.s32 $0x0, s20;
	[sflag:s22] =	ssyncset.done $0x0  }
0xa0: {  	[sflag:s22] =	ssyncadd.s32 s4;
	_ =	sdelay $0x1  }
0xa1: {  	s23 =	simm.s32 $0x1B8B  }
0xa2: {  	_ =	swait.ge [sflag:s23], $0x1  }
0xa3: {  	[sflag:s23] =	ssyncset.done $0x0  }
0xa4: {  	s25 =	simm.s32 $0x1B8E;
	s24 =	sld [smem:$0x3FFE];
	[sflag:s23] =	ssyncadd.s32 $0xFFFFFFFF  }
0xa5: {  	s26 =	simm.s32 $execute0_lowered;
	[smem:$0x3FD2] =	sst s25  }
0xa6: {  	s5 =	sshll.u32 s26, $0x1;
	_ =	strace $0x80000046;
	[dreg:$0x1] =	wrdreg $0xFFFFFFFF  }
0xa7: {  	s28 =	simm.s32 $_size_execute0_lowered;
	s3 =	sadd.s32 s3, s5;
	[dreg:$0x0] =	wrdreg $0x0  }
0xa8: {  	s5 =	sshll.u32 s28, $0x1;
	[dreg:$0x2] =	wrdreg s3  }
0xa9: {  	[dreg:$0x3] =	wrdreg s5  }
0xaa: {  	[dreg:$0x4] =	wrdreg $0xC0  }
0xab: {  	_ =	task [dreg:s7], $0x5FFFF  }
0xac: {  	[dreg:$0x1] =	wrdreg $0xFFFFFFFF  }
0xad: {  	[dreg:$0x0] =	wrdreg $0x60  }
0xae: {  	[dreg:$0x2] =	wrdreg s24  }
0xaf: {  	[dreg:$0x3] =	wrdreg s2  }
0xb0: {  	[dreg:$0x4] =	wrdreg $0x100000  }
0xb1: {  	[dreg:$0x5] =	wrdreg $0x9  }
0xb2: {  	_ =	task.clear_ibuf [dreg:s7], $0x6FFFF;
	_ =	strace $0x90000046  }
0xb3: {  	s29 =	simm.s32 $0x9;
	_ =	strace $0x80000048  }
0xb4: {  	_ =	swait.ge [sflag:s29], $0x1  }
0xb5: {  	[sflag:s29] =	ssyncadd.s32 $0xFFFFFFFF  }
0xb6: {  	_ =	strace $0x90000048  }
0xb7: {  	_ =	sfence  }
0xb8: {  	s30 =	sld [smem:$0x0];
	_ =	sdelay $0x2  }
0xb9: {  	s31 =	sshll.u32 s1, $0xD;
	s1 =	sshrl.u32 s1, $0x2  }
0xba: {  	s3 =	sand.u32 $0x4000, s31;
	s1 =	sadd.s32 s1, s30  }
0xbb: {  	s0 =	sor.u32 s3, s0;
	s1 =	sshll.u32 s1, $0x11  }
0xbc: {  	s0 =	sor.u32 s1, s0  }
0xbd: {  	s0 =	sadd.s32 $0x8F2B, s0  }
0xbe: {  	[sflag:s0] =	ssyncadd.remote.s32 $0x1  }
0xbf: {  	_ =	sfence.sel $0xFFFF  }
0xc0: {  	[dreg:$0x0] =	wrdreg $0xFFFFFFFF;
	(pc) =	sbr.abs _section_cstart, $3  }
0xc1: {  	[dreg:$0x1] =	wrdreg $0xFFFFFFFF  }
0xc2: {  	_ =	task.clear_ibuf [dreg:s7], $0x2FFFF;
	_ =	strace $0x9FFFFFFF  }
0xc3: {  	(tm) =	ssettm $0x7FFFFFFF  }
tec
execute0_lowered:
.L_overlay_start_1:
0x0: {  	(tag) =	ssettag $0x1  }
0x1: {  	s12 =	rddreg [dreg:$0x0]  }
0x2: {  	s2 =	rddreg [dreg:$0x1]  }
0x3: {  	s3 =	rddreg [dreg:$0x2]  }
0x4: {  	s1 =	stileid.u32;
	s0 =	simm.s32 $0x0;
	s6 =	srdreg.scid  }
0x5: {  	s16 =	simm.s32 $0x4;
	s17 =	simm.s32 $0x1880;
	s18 =	simm.s32 $0x3200  }
0x6: {  	s21 =	simm.s32 $0x4C00;
	s22 =	simm.s32 $0x3;
	s23 =	simm.s32 $0x0  }
0x7: {  	s5 =	smul.u32 $0x1870, s1;
	[smem:$0x7FF] =	sst s0;
	s8 =	sand.u32 $0x1, s6  }
0x8: {  	s30 =	sshll.u32 s1, $0x1;
	s11 =	smul.u32 $0x27000, s1;
	s20 =	sadd.s32 $0x1388, s1  }
0x9: {  	p0 =	sne.s32 s1, $0xF;
	_ =	strace $0x80000047;
	s6 =	sor.u32 s8, s30  }
0xa: {  	s9 =	ssub.s32 $0x2, s8;
	s8 =	smul.u32 $0x186A0, s8;
	v0 =	vmov s20;
	s20 =	simm.s32 $0x80  }
0xb: {  	s7 =	sshrl.u32 s5, $0x3;
	s19 =	smul.u32 $0x61, s6;
	s6 =	sadd.s32 $0x3C00, s12  }
.Ltmp0:
0xc: {  	s10 =	sshrl.u32 s9, $0x1;
	s11 =	sshrl.u32 s11, $0x2;
	(pc) =	sbr.rel .LBB2_1-.Ltmp0, $4  }
0xd: {  	s7 =	sadd.s32 s7, s12;
	s13 =	ssub.s32 s9, s10;
	s9 =	smul.u32 $0x138, s1  }
0xe: {  	s10 =	sadd.s32 $0x9C000, s3;
	s11 =	sadd.s32 s11, s3;
	s12 =	sadd.s32 $0x17400, s12  }
0xf: {  	v2 =	vimm.f32 $0.0e+00;
	s31 =	sadd.s32 $0xA00, s7;
	s13 =	smax.u32 s13, $0x1;
	s14 =	sadd.s32 $0x3400, s11  }
0x10: {  	v3 =	vimm.s32 $0x0;
	v4 =	vlaneseq.u32;
	s15 =	sadd.s32 $0x6800, s11;
	v1 =	vmov s19;
	s19 =	simm.s32 $0xCC00;
	[dreg:$0x4] =	wrdreg s31  }
.LBB2_10:
0x11: {  	s23 =	sadd.s32 $0x1, s23  }
0x12: {  	_ =	swait.ge [sflag:s22], $0x1380;
	p1 =	sne.s32 s23, s13  }
.Ltmp1:
0x13: {  	[sflag:s22] =	ssyncset.done $0x0;
	(pc) =	sbr.rel @!p1 .LBB2_11-.Ltmp1, $4  }
0x14: {  	s0 =	simm.s32 @!p0 $0x3;
	[sflag:s22] =	ssyncadd.s32 $0xFFFFEC80  }
0x15: {  	_ =	swait.ge @!p0 [sflag:s0], $0x80  }
0x16: {  	[sflag:s0] =	ssyncset.done @!p0 $0x0  }
0x17: {  	[sflag:s0] =	ssyncadd.s32 @!p0 $0xFFFFFF80  }
.LBB2_1:
0x18: {  	s0 =	simm.s32 $0x0;
	s4 =	rddreg [dreg:$0x4]  }
0x19: {  	[tilespmem:s0], [sflag:$0x4] =	stream.linear.gather [hbm4b:s4+s0], $0x1870, $0x38;
	[tilespmem:$0x19CC0] =	vst v63  }
0x1a: {  	_ =	swait.ge [sflag:s16], $0x1870  }
0x1b: {  	[sflag:s16] =	ssyncset.done $0x0  }
0x1c: {  	s25 =	simm.s32 $0x70;
	s24 =	simm.s32 $0x3C0;
	[sflag:s16] =	ssyncadd.s32 $0xFFFFE790  }
.LBB2_2:
0x1d: {  	p1 =	sne.s32 s24, $0xCFC0;
	[tilespmem:s25+$0xCC00] =	vst v2  }
0x1e: {  	[tilespmem:s25+$0xCB90] =	vst v2  }
0x1f: {  	[tilespmem:s25+$0xCBA0] =	vst v2  }
.Ltmp2:
0x20: {  	[tilespmem:s25+$0xCBB0] =	vst v2;
	(pc) =	sbr.rel @p1 .LBB2_2-.Ltmp2, $4  }
0x21: {  	[tilespmem:s25+$0xCBC0] =	vst v2  }
0x22: {  	[tilespmem:s25+$0xCBD0] =	vst v2  }
0x23: {  	[tilespmem:s25+$0xCBE0] =	vst v2  }
0x24: {  	[tilespmem:s25+$0xCBF0] =	vst v2;
	s25 =	sshra.s32 s24, $0x2;
	s24 =	sadd.s32 $0x200, s24  }
0x25: {  	[tilespmem:s25+$0xCC00] =	vst v2  }
0x26: {  	[tilespmem:s25+$0xCB90] =	vst v2  }
0x27: {  	[tilespmem:s25+$0xCBA0] =	vst v2  }
.Ltmp3:
0x28: {  	[tilespmem:s25+$0xCBB0] =	vst v2;
	(pc) =	sbr.rel .LBB2_4-.Ltmp3, $4  }
0x29: {  	[tilespmem:s25+$0xCBC0] =	vst v2  }
0x2a: {  	[tilespmem:s25+$0xCBD0] =	vst v2  }
0x2b: {  	[tilespmem:s25+$0xCBE0] =	vst v2  }
0x2c: {  	s24 =	simm.s32 $0x0;
	[tilespmem:s25+$0xCBF0] =	vst v2;
	s25 =	simm.s32 $0x0  }
.LBB2_9:
0x2d: {  	s0 =	sadd.s32 s9, s26  }
0x2e: {  	[bflag:$0x0] =	sbarrier.arrive $0xFFFF;
	s4 =	sshll.u32 s1, $0x6;
	s25 =	sadd.s32 $0x1, s25  }
0x2f: {  	s7 =	sshrl.u32 s11, $0x3;
	s0 =	sshll.u32 s0, $0x4;
	p1 =	sne.s32 s25, $0x14  }
.Ltmp4:
0x30: {  	s4 =	sor.u32 $0x1C03, s4;
	s0 =	sadd.s32 s6, s0;
	(pc) =	sbr.rel @!p1 .LBB2_10-.Ltmp4, $4  }
0x31: {  	[hbm:s0], [sflag:s4] =	dma.local [spmem:s7], $0x1380  }
0x32: {  	s0 =	sshll.u32 @!p0 s26, $0x4  }
0x33: {  	s7 =	sshrl.u32 @!p0 s10, $0x3;
	s0 =	sadd.s32 @!p0 s0, s12  }
0x34: {  	[hbm:s0], [sflag:s4] =	dma.local @!p0 [spmem:s7], $0x80  }
.LBB2_4:
0x35: {  	s28 =	simm.s32 $0x0  }
0x36: {  	v6 =	vld [tilespmem:s28+$0x0]  }
0x37: {  	s26 =	smul.u32 $0x1388, s25;
	_ =	sdelay $0x1  }
0x38: {  	s26 =	sadd.s32 s8, s26  }
0x39: {  	v5 =	vmov s26  }
0x3a: {  	v6 =	vsub.s32 v6, v5  }
0x3b: {  	v7 =	vsub.s32 $0x1387, v6  }
0x3c: {  	v7 =	vor.u32 v6, v7  }
0x3d: {  	vm0 =	vgt.s32 v7, $0xFFFFFFFF  }
0x3e: {  	v8 =	vsel vm0, $0x1, v3  }
0x3f: {  	(xrf0) =	vadd.scan.msk.s32 $0xffff, v8;
	_ =	sdelay $0x4  }
0x40: {  	v8 =	vsel vm0, $0xFFFFFFFF, v3  }
0x41: {  	v8 =	vadd.s32 s24, v8;
	v9, _, _ =	vpop (xrf0)  }
0x42: {  	v7 =	vshra.s32 v7, $0x1F;
	v8 =	vadd.s32 v9, v8  }
0x43: {  	v7 =	vand.u32 $0x1970, v7;
	v8 =	vnsel vm0, $0x0, v8  }
0x44: {  	v7 =	vadd.s32 v7, v8;
	_ =	sdelay $0x4  }
0x45: {  	[tilespmem:v7+s17+$0x0] =	vst.idx.msk $0xffff, v6;
	v6 =	vor.u32 s5, v4  }
0x46: {  	s28 =	simm.s32 $0x10;
	(v2sf) =	vpush v9, $0xF;
	[tilespmem:v7+s18+$0x0] =	vst.idx.msk $0xffff, v6  }
0x47: {  	v6 =	vld [tilespmem:s28+$0x0];
	_ =	sdelay $0x4  }
0x48: {  	v6 =	vsub.s32 v6, v5  }
0x49: {  	v7 =	vsub.s32 $0x1387, v6  }
0x4a: {  	v8 =	vor.u32 v6, v7  }
0x4b: {  	vm0 =	vgt.s32 v8, $0xFFFFFFFF  }
0x4c: {  	v7 =	vsel vm0, $0x1, v3  }
0x4d: {  	(xrf0) =	vadd.scan.msk.s32 $0xffff, v7;
	_ =	sdelay $0x3  }
0x4e: {  	s28 =	spop (v2sf)  }
0x4f: {  	s28 =	sadd.s32 $0x0, s28;
	v7 =	vsel vm0, $0xFFFFFFFF, v3  }
0x50: {  	v7 =	vadd.s32 s28, v7;
	v9, _, _ =	vpop (xrf0)  }
0x51: {  	s29 =	simm.s32 $0x80;
	s31 =	simm.s32 $0xC0;
	s30 =	smov.u32 s5;
	v8 =	vshra.s32 v8, $0x1F;
	v7 =	vadd.s32 v9, v7;
	(v2sf) =	vpush v9, $0xF  }
.LBB2_5:
0x52: {  	p1 =	seq.s32 s31, $0x6180;
	v7 =	vnsel vm0, $0x0, v7;
	v8 =	vand.u32 $0x1970, v8  }
0x53: {  	v7 =	vadd.s32 v8, v7;
	_ =	sdelay $0x3  }
0x54: {  	s30 =	sadd.s32 $0x10, s30  }
0x55: {  	[tilespmem:v7+s17+$0x0] =	vst.idx.msk $0xffff, v6;
	v6 =	vor.u32 s30, v4  }
0x56: {  	s0 =	sshra.s32 s29, $0x2;
	s29 =	smov.u32 s31;
	[tilespmem:v7+s18+$0x0] =	vst.idx.msk $0xffff, v6  }
0x57: {  	v6 =	vld [tilespmem:s0+$0x0];
	_ =	sdelay $0x4  }
0x58: {  	v6 =	vsub.s32 v6, v5  }
0x59: {  	v7 =	vsub.s32 $0x1387, v6;
	s0 =	spop (v2sf)  }
0x5a: {  	v8 =	vor.u32 v6, v7;
	s28 =	sadd.s32 s28, s0  }
0x5b: {  	vm0 =	vgt.s32 v8, $0xFFFFFFFF  }
0x5c: {  	v7 =	vsel vm0, $0x1, v3  }
0x5d: {  	(xrf0) =	vadd.scan.msk.s32 $0xffff, v7;
	_ =	sdelay $0x2  }
.Ltmp5:
0x5e: {  	(pc) =	sbr.rel @!p1 .LBB2_5-.Ltmp5, $4  }
0x5f: {  	_ = 	snop  }
0x60: {  	v7 =	vsel vm0, $0xFFFFFFFF, v3  }
0x61: {  	v7 =	vadd.s32 s28, v7;
	v9, _, _ =	vpop (xrf0)  }
0x62: {  	s31 =	sadd.s32 $0x40, s31;
	v8 =	vshra.s32 v8, $0x1F;
	v7 =	vadd.s32 v9, v7;
	(v2sf) =	vpush v9, $0xF  }
0x63: {  	v7 =	vnsel vm0, $0x0, v7;
	v8 =	vand.u32 $0x1970, v8  }
0x64: {  	v7 =	vadd.s32 v8, v7;
	_ =	sdelay $0x3  }
0x65: {  	s0 =	sadd.s32 $0x10, s30  }
0x66: {  	[tilespmem:v7+s17+$0x0] =	vst.idx.msk $0xffff, v6;
	v6 =	vor.u32 s0, v4  }
0x67: {  	s29 =	sshra.s32 s29, $0x2;
	[tilespmem:v7+s18+$0x0] =	vst.idx.msk $0xffff, v6  }
0x68: {  	v6 =	vld [tilespmem:s29+$0x0];
	_ =	sdelay $0x4  }
0x69: {  	v5 =	vsub.s32 v6, v5  }
0x6a: {  	v6 =	vsub.s32 $0x1387, v5  }
0x6b: {  	v6 =	vor.u32 v5, v6  }
0x6c: {  	vm15 =	vgt.s32 v6, $0xFFFFFFFF  }
0x6d: {  	v7 =	vsel vm15, $0x1, v3  }
0x6e: {  	(xrf0) =	vadd.scan.msk.s32 $0xffff, v7;
	_ =	sdelay $0x5  }
0x6f: {  	v7, _, _ =	vpop (xrf0)  }
0x70: {  	(v2sf) =	vpush v7, $0xF;
	_ =	sdelay $0x4  }
0x71: {  	s30 =	spop (v2sf)  }
0x72: {  	s28 =	sadd.s32 s28, s30;
	v63 =	vsel vm15, $0xFFFFFFFF, v3  }
0x73: {  	v8 =	vadd.s32 s28, v63  }
0x74: {  	v6 =	vshra.s32 v6, $0x1F;
	v7 =	vadd.s32 v7, v8  }
0x75: {  	v6 =	vand.u32 $0x1970, v6;
	v7 =	vnsel vm15, $0x0, v7  }
0x76: {  	v6 =	vadd.s32 v6, v7;
	_ =	sdelay $0x3  }
0x77: {  	s0 =	sadd.s32 $0x10, s0  }
0x78: {  	[tilespmem:v6+s17+$0x0] =	vst.idx.msk $0xffff, v5;
	v5 =	vor.u32 s0, v4;
	s31 =	spop (v2sf)  }
0x79: {  	[tilespmem:v6+s18+$0x0] =	vst.idx.msk $0xffff, v5;
	s28 =	sadd.s32 s28, s31  }
0x7a: {  	[tilespmem:s28+$0x1880] =	vst v0  }
0x7b: {  	[tilespmem:s28+$0x3200] =	vst v1  }
0x7c: {  	[tilespmem:s28+$0x1890] =	vst v0  }
0x7d: {  	[tilespmem:s28+$0x3210] =	vst v1  }
0x7e: {  	[tilespmem:s28+$0x18A0] =	vst v0  }
0x7f: {  	[tilespmem:s28+$0x3220] =	vst v1  }
0x80: {  	[tilespmem:s28+$0x18B0] =	vst v0  }
0x81: {  	[tilespmem:s28+$0x3230] =	vst v1  }
0x82: {  	[tilespmem:s28+$0x18C0] =	vst v0  }
0x83: {  	[tilespmem:s28+$0x3240] =	vst v1  }
0x84: {  	[tilespmem:s28+$0x18D0] =	vst v0  }
0x85: {  	[tilespmem:s28+$0x3250] =	vst v1  }
0x86: {  	[tilespmem:s28+$0x18E0] =	vst v0  }
0x87: {  	[tilespmem:s28+$0x3260] =	vst v1;
	s4 =	sadd.s32 $0x7F, s28  }
0x88: {  	p1 =	seq.s32 s25, $0x0;
	[tilespmem:s28+$0x18F0] =	vst v0;
	s31 =	sand.u32 $0x7F, s4  }
0x89: {  	[tilespmem:s28+$0x3270] =	vst v1;
	s28 =	simm.s32 @!p1 $0x3;
	p2 =	slt.s32 s4, $0x1;
	p3 =	sne.s32 s31, $0x0  }
0x8a: {  	_ =	swait.ge @!p1 [sflag:s28], $0x1380;
	p2 =	por !p2, !p3;
	p3 =	sne.s32 @!p1 s1, $0xF  }
0x8b: {  	[sflag:s28] =	ssyncset.done @!p1 $0x0;
	p3 =	por p3, p1  }
0x8c: {  	[sflag:s28] =	ssyncadd.s32 @!p1 $0xFFFFEC80;
	s29 =	simm.s32 @!p3 $0x3  }
0x8d: {  	_ =	swait.ge @!p3 [sflag:s29], $0x80  }
0x8e: {  	[sflag:s29] =	ssyncset.done @!p3 $0x0  }
0x8f: {  	[sflag:s29] =	ssyncadd.s32 @!p3 $0xFFFFFF80  }
0x90: {  	[spmem:s11] =	stream.linear.scatter [tilespmem:s19], [sflag:$0x4], $0x3400, $0x38;
	[tilespmem:$0x19CC0] =	vst v63  }
0x91: {  	_ =	swait.ge [sflag:s16], $0x3400  }
0x92: {  	[sflag:s16] =	ssyncset.done $0x0  }
0x93: {  	[sflag:s16] =	ssyncadd.s32 $0xFFFFCC00  }
0x94: {  	[spmem:s14] =	stream.linear.scatter [tilespmem:s19], [sflag:$0x4], $0x3400, $0x38;
	[tilespmem:$0x19CC0] =	vst v63  }
0x95: {  	s7 =	sshra.s32 s4, $0x1F;
	_ =	swait.ge [sflag:s16], $0x3400  }
0x96: {  	s30 =	sshrl.u32 s7, $0x19;
	[sflag:s16] =	ssyncset.done $0x0  }
0x97: {  	s28 =	sadd.s32 s30, s4;
	[sflag:s16] =	ssyncadd.s32 $0xFFFFCC00  }
0x98: {  	[spmem:s15] =	stream.linear.scatter [tilespmem:s19], [sflag:$0x4], $0x3400, $0x38;
	[tilespmem:$0x19CC0] =	vst v63  }
0x99: {  	s30 =	simm.s32 $0x1;
	p1 =	por !p2, !p2;
	_ =	swait.ge [sflag:s16], $0x3400  }
0x9a: {  	s28 =	sshra.s32 s28, $0x7;
	s30 =	simm.s32 @!p1 $0x0;
	[sflag:s16] =	ssyncset.done $0x0  }
0x9b: {  	s0 =	simm.s32 @!p0 $0xCC00;
	s28 =	ssub.s32 s28, s30;
	[sflag:s16] =	ssyncadd.s32 $0xFFFFCC00  }
0x9c: {  	[spmem:s10] =	stream.linear.scatter @!p0 [tilespmem:s0], [sflag:$0x4], $0x400, $0x38;
	[tilespmem:$0x19CC0] =	vst v63  }
0x9d: {  	p1 =	slt.s32 s28, $0x1;
	s0 =	simm.s32 @!p0 $0x4  }
.Ltmp6:
0x9e: {  	_ =	swait.ge @!p0 [sflag:s0], $0x400;
	(pc) =	sbr.rel @p1 .LBB2_9-.Ltmp6, $3  }
0x9f: {  	[sflag:s0] =	ssyncset.done @!p0 $0x0  }
0xa0: {  	[sflag:s0] =	ssyncadd.s32 @!p0 $0xFFFFFC00  }
0xa1: {  	[bflag:$0x0] =	sbarrier.arrive $0xFFFF;
	_ =	sdelay $0x1  }
0xa2: {  	[tilespmem:s21], [sflag:$0x1] =	stream.indirect.gather [hbm4b:s2+s20], $0x80, s18, s20, $0xb8;
	[tilespmem:$0x19CC0] =	vst v63  }
0xa3: {  	s30 =	simm.s32 $0x0  }
.LBB2_8:
0xa4: {  	s0 =	sand.u32 $0x1, s30  }
0xa5: {  	p1 =	seq.s32 s0, $0x1  }
0xa6: {  	s29 =	sadd.s32 @p1 $0x1, s30  }
0xa7: {  	s0 =	simm.s32 @p1 $0x2;
	p2 =	sge.s32 @p1 s29, s28  }
0xa8: {  	_ =	swait.ge @p1 [sflag:s0], $0x4000;
	p2 =	por p2, !p1  }
0xa9: {  	[sflag:s0] =	ssyncset.done @p1 $0x0;
	s31 =	sshll.u32 @!p2 s29, $0x9  }
0xaa: {  	[sflag:s0] =	ssyncadd.s32 @p1 $0xFFFFC000;
	s0 =	sshra.s32 @!p2 s31, $0x2  }
0xab: {  	s4 =	simm.s32 @!p2 $0x4C00;
	s31 =	simm.s32 @!p2 $0x80;
	s0 =	sadd.s32 @!p2 $0x3200, s0  }
0xac: {  	[tilespmem:s4], [sflag:$0x1] =	stream.indirect.gather @!p2 [hbm4b:s2+s31], $0x80, s0, s31, $0xb8;
	[tilespmem:$0x19CC0] =	vst v63  }
0xad: {  	s0 =	sshll.u32 @p1 s30, $0x9  }
0xae: {  	s0 =	sshra.s32 @p1 s0, $0x2  }
0xaf: {  	v5 =	vld @p1 [tilespmem:s0+$0x1880];
	_ =	sdelay $0x4  }
0xb0: {  	[tilespmem:$0x4B80] =	vst @p1 v5  }
0xb1: {  	v5 =	vld @p1 [tilespmem:s0+$0x1890];
	_ =	sdelay $0x4  }
0xb2: {  	[tilespmem:$0x4B90] =	vst @p1 v5  }
0xb3: {  	v5 =	vld @p1 [tilespmem:s0+$0x18A0];
	_ =	sdelay $0x4  }
0xb4: {  	[tilespmem:$0x4BA0] =	vst @p1 v5  }
0xb5: {  	v5 =	vld @p1 [tilespmem:s0+$0x18B0];
	_ =	sdelay $0x4  }
0xb6: {  	[tilespmem:$0x4BB0] =	vst @p1 v5  }
0xb7: {  	v5 =	vld @p1 [tilespmem:s0+$0x18C0];
	_ =	sdelay $0x4  }
0xb8: {  	[tilespmem:$0x4BC0] =	vst @p1 v5  }
0xb9: {  	v5 =	vld @p1 [tilespmem:s0+$0x18D0];
	_ =	sdelay $0x4  }
0xba: {  	[tilespmem:$0x4BD0] =	vst @p1 v5  }
0xbb: {  	v5 =	vld @p1 [tilespmem:s0+$0x18E0];
	_ =	sdelay $0x4  }
0xbc: {  	[tilespmem:$0x4BE0] =	vst @p1 v5  }
0xbd: {  	v5 =	vld @p1 [tilespmem:s0+$0x18F0];
	_ =	sdelay $0x4  }
0xbe: {  	s4 =	simm.s32 @p1 $0x4B80;
	s31 =	simm.s32 @p1 $0x8C00;
	s0 =	simm.s32 @p1 $0x80;
	[tilespmem:$0x4BF0] =	vst @p1 v5  }
0xbf: {  	[spmem:s3] =	stream.indirect.scatter.add.f32 @p1 [tilespmem:s31], [sflag:$0x4], $0x80, s4, s0, $0xb8;
	[tilespmem:$0x19CC0] =	vst v63  }
0xc0: {  	s0 =	simm.s32 @p1 $0x4  }
0xc1: {  	_ =	swait.ge @p1 [sflag:s0], $0x4000  }
0xc2: {  	s4 =	sor.u32 @!p1 $0x1, s30;
	[sflag:s0] =	ssyncset.done @p1 $0x0  }
0xc3: {  	p2 =	sge.s32 @!p1 s4, s28;
	[sflag:s0] =	ssyncadd.s32 @p1 $0xFFFFC000;
	s0 =	simm.s32 @!p1 $0x1  }
0xc4: {  	p2 =	por p2, p1;
	_ =	swait.ge @!p1 [sflag:s0], $0x4000  }
0xc5: {  	s31 =	sshll.u32 @!p2 s4, $0x9;
	[sflag:s0] =	ssyncset.done @!p1 $0x0  }
0xc6: {  	[sflag:s0] =	ssyncadd.s32 @!p1 $0xFFFFC000;
	s0 =	sshra.s32 @!p2 s31, $0x2  }
0xc7: {  	s7 =	simm.s32 @!p2 $0x8C00;
	s31 =	simm.s32 @!p2 $0x80;
	s0 =	sadd.s32 @!p2 $0x3200, s0  }
0xc8: {  	[tilespmem:s7], [sflag:$0x2] =	stream.indirect.gather @!p2 [hbm4b:s2+s31], $0x80, s0, s31, $0xb8;
	[tilespmem:$0x19CC0] =	vst v63  }
0xc9: {  	s0 =	sshll.u32 @!p1 s30, $0x9  }
0xca: {  	s0 =	sshra.s32 @!p1 s0, $0x2  }
0xcb: {  	v5 =	vld @!p1 [tilespmem:s0+$0x1880];
	_ =	sdelay $0x4  }
0xcc: {  	[tilespmem:$0x4B80] =	vst @!p1 v5  }
0xcd: {  	v5 =	vld @!p1 [tilespmem:s0+$0x1890];
	_ =	sdelay $0x4  }
0xce: {  	[tilespmem:$0x4B90] =	vst @!p1 v5  }
0xcf: {  	v5 =	vld @!p1 [tilespmem:s0+$0x18A0];
	_ =	sdelay $0x4  }
0xd0: {  	[tilespmem:$0x4BA0] =	vst @!p1 v5  }
0xd1: {  	v5 =	vld @!p1 [tilespmem:s0+$0x18B0];
	_ =	sdelay $0x4  }
0xd2: {  	[tilespmem:$0x4BB0] =	vst @!p1 v5  }
0xd3: {  	v5 =	vld @!p1 [tilespmem:s0+$0x18C0];
	_ =	sdelay $0x4  }
0xd4: {  	[tilespmem:$0x4BC0] =	vst @!p1 v5  }
0xd5: {  	v5 =	vld @!p1 [tilespmem:s0+$0x18D0];
	_ =	sdelay $0x4  }
0xd6: {  	[tilespmem:$0x4BD0] =	vst @!p1 v5  }
0xd7: {  	v5 =	vld @!p1 [tilespmem:s0+$0x18E0];
	_ =	sdelay $0x4  }
0xd8: {  	[tilespmem:$0x4BE0] =	vst @!p1 v5  }
0xd9: {  	v5 =	vld @!p1 [tilespmem:s0+$0x18F0];
	_ =	sdelay $0x3  }
0xda: {  	s4 =	smov.u32 @p1 s29;
	s7 =	simm.s32 @!p1 $0x4B80  }
0xdb: {  	s30 =	simm.s32 @!p1 $0x4C00;
	p2 =	sne.s32 s4, s28;
	s0 =	simm.s32 @!p1 $0x80;
	[tilespmem:$0x4BF0] =	vst @!p1 v5  }
0xdc: {  	[spmem:s3] =	stream.indirect.scatter.add.f32 @!p1 [tilespmem:s30], [sflag:$0x5], $0x80, s7, s0, $0xb8;
	[tilespmem:$0x19CC0] =	vst v63  }
.Ltmp7:
0xdd: {  	_ = 	snop;
	(pc) =	sbr.rel @p2 .LBB2_8-.Ltmp7, $4  }
0xde: {  	s0 =	simm.s32 @!p1 $0x5  }
0xdf: {  	_ =	swait.ge @!p1 [sflag:s0], $0x4000  }
0xe0: {  	[sflag:s0] =	ssyncset.done @!p1 $0x0  }
0xe1: {  	s30 =	smov.u32 s4;
	[sflag:s0] =	ssyncadd.s32 @!p1 $0xFFFFC000  }
.Ltmp8:
0xe2: {  	_ = 	snop;
	(pc) =	sbr.rel .LBB2_9-.Ltmp8, $1  }
0xe3: {  	_ =	sdelay $0x3  }
.LBB2_11:
0xe4: {  	_ =	sfence.sel $0x180000  }
0xe5: {  	[bflag:$0x0] =	sbarrier.arrive $0xFFFF  }
0xe6: {  	_ =	strace $0x90000047  }
0xe7: {  	[bflag:$0x2] =	sbarrier.arrive $0xFFFF  }
0xe8: {  	p0 =	sne.s32 s1, $0x0;
	s0 =	rddreg [dreg:$0x3]  }
0xe9: {  	s0 =	sadd.s32 @!p0 $0x100000, s0  }
0xea: {  	[sflag:s0] =	ssyncadd.tile.s32 @!p0 $0x1;
	_ =	shalt  }
.Lfunc_end2:
_tile_overlayer_lowered:
.L_overlay_start_2:
0xeb: {  	(tag) =	ssettag $0x2  }
0xec: {  	s0 =	rddreg [dreg:$0x0];
	s2 =	stileid.u32  }
0xed: {  	s1 =	rddreg [dreg:$0x1];
	p0 =	sne.s32 s2, $0x0  }
0xee: {  	s3 =	rddreg [dreg:$0x2];
	[bflag:$0x3] =	sbarrier.arrive $0xFFFF;
	s2 =	simm.s32 @!p0 $0x1C04  }
0xef: {  	[timem:s3], [sflag:s2] =	dma.local @!p0 [hbm:s0], s1  }
0xf0: {  	s0 =	simm.s32 @!p0 $0x4  }
0xf1: {  	_ =	swait.ge @!p0 [sflag:s0], s1  }
0xf2: {  	s1 =	ssub.s32 @!p0 $0x0, s1;
	[sflag:s0] =	ssyncset.done @!p0 $0x0  }
0xf3: {  	[sflag:s0] =	ssyncadd.s32 @!p0 s1  }
0xf4: {  	[bflag:$0x3] =	sbarrier.arrive $0xFFFF  }
0xf5: {  	_ =	shalt  }

</sc_bundles>
